<compile_context>
chip_gen: v7x
topology: tpu7x:2x2x1
jax: 0.10.2.dev20260603
libtpu: 0.0.44.dev20260713+nightly
codegen_flags: <defaults>
</compile_context>

<pallas_src>
import functools

import jax
import jax.numpy as jnp
from jax import lax
from jax.experimental import pallas as pl
from jax.experimental.pallas import tpu as pltpu
from jax.experimental.pallas import tpu_sc as plsc

_LANES = 16
_BLK = 64
_NSC = 2
_NTILES = 16
_CHUNK_E = 1024
_NQ = 3
_RING = _CHUNK_E + _BLK


def _sc_edge_body(n, n_pad, qn, nqt, e_tile, xf_hbm, srcp_hbm, dstp_hbm,
                  valp_hbm, zblk_hbm, agg_hbm, src_v, dst_v, val_v, rows0,
                  rows1, csrc, cdst, cval, cdst_blk, xsp, aggq, gsem0, gsem1):
    c = lax.axis_index("c")
    s = lax.axis_index("s")
    rows = (rows0, rows1)
    gsem = (gsem0, gsem1)
    nchunks = e_tile // _CHUNK_E
    max_pairs = (_RING // _BLK + 1) // 2

    n_x_tile = -(-n // (_NTILES * 8)) * 8
    n_x_full = n // n_x_tile
    n_x_tail = n - n_x_full * n_x_tile

    @pl.when(s < n_x_full)
    def _stage():
        pltpu.sync_copy(xf_hbm.at[pl.ds(c * n + s * n_x_tile, n_x_tile)],
                        xsp.at[pl.ds(s * n_x_tile, n_x_tile)])

    if n_x_tail:
        @pl.when(s == n_x_full)
        def _stage_tail():
            pltpu.sync_copy(
                xf_hbm.at[pl.ds(c * n + n_x_full * n_x_tile, n_x_tail)],
                xsp.at[pl.ds(n_x_full * n_x_tile, n_x_tail)])

    def one_pass(p, carry_p):
        lo = p * qn

        pltpu.sync_copy(zblk_hbm, aggq.at[pl.ds(s * nqt, nqt)])

        plsc.subcore_barrier()

        def chunk(ch, carry0):
            hrow = s * (e_tile // 128) + ch * (_CHUNK_E // 128)
            pltpu.sync_copy(srcp_hbm.at[pl.ds(hrow, _CHUNK_E // 128)], src_v)
            pltpu.sync_copy(dstp_hbm.at[pl.ds(hrow, _CHUNK_E // 128)], dst_v)
            pltpu.sync_copy(valp_hbm.at[pl.ds(hrow * 128, _CHUNK_E)], val_v)

            def scan(g2, cnt):
                for u in range(4):
                    g = 4 * g2 + u
                    row = g >> 3
                    col = (g & 7) * _LANES
                    src16 = src_v[row, pl.ds(col, _LANES)]
                    dst16 = dst_v[row, pl.ds(col, _LANES)]
                    val16 = val_v[pl.ds(g * _LANES, _LANES)]
                    dq = dst16 - lo
                    mask = (dq >= 0) & (dq < qn)
                    plsc.store_compressed(csrc.at[pl.ds(cnt, _LANES)], src16,
                                          mask=mask)
                    plsc.store_compressed(cdst.at[pl.ds(cnt, _LANES)], dq,
                                          mask=mask)
                    plsc.store_compressed(cval.at[pl.ds(cnt, _LANES)], val16,
                                          mask=mask)
                    cnt = cnt + jnp.max(
                        plsc.all_reduce_population_count(mask))
                return cnt

            cnt = lax.fori_loop(0, _CHUNK_E // _LANES // 4, scan, 0)

            zf = jnp.zeros((_LANES,), jnp.float32)
            zi = jnp.zeros((_LANES,), jnp.int32)
            for k in range(_BLK // _LANES):
                cval[pl.ds(cnt + k * _LANES, _LANES)] = zf
                cdst[pl.ds(cnt + k * _LANES, _LANES)] = zi
                csrc[pl.ds(cnt + k * _LANES, _LANES)] = zi
            nb = (cnt + _BLK - 1) >> 6

            @pl.when(nb > 0)
            def _prime():
                pltpu.async_copy(xsp.at[csrc.at[pl.ds(0, _BLK)]], rows0,
                                 gsem0)

            def pair(q2, carry):
                for b in (0, 1):
                    k = 2 * q2 + b

                    @pl.when(k < nb)
                    def _proc(b=b, k=k):
                        @pl.when(k + 1 < nb)
                        def _issue():
                            pltpu.async_copy(
                                xsp.at[csrc.at[pl.ds((k + 1) * _BLK, _BLK)]],
                                rows[1 - b], gsem[1 - b])

                        pltpu.make_async_copy(
                            xsp.at[csrc.at[pl.ds(k * _BLK, _BLK)]], rows[b],
                            gsem[b]).wait()

                        rv = rows[b]

                        @plsc.parallel_loop(0, _BLK, unroll=4)
                        def _row(r):
                            val = plsc.load_gather(
                                cval,
                                [jnp.full((_LANES,), k * _BLK + r,
                                          jnp.int32)])
                            for u in range(128 // _LANES):
                                sl = pl.ds(u * _LANES, _LANES)
                                rv[r, sl] = rv[r, sl] * val

                        for t in range(_BLK // _LANES):
                            cdst_blk[pl.ds(t * _LANES, _LANES)] = (
                                cdst[pl.ds(k * _BLK + t * _LANES, _LANES)])

                        pltpu.sync_copy(rv, aggq.at[cdst_blk], add=True)

                return carry

            lax.fori_loop(0, max_pairs, pair, 0)
            return carry0

        lax.fori_loop(0, nchunks, chunk, 0)

        plsc.subcore_barrier()

        pltpu.sync_copy(
            aggq.at[pl.ds(s * nqt, nqt)],
            agg_hbm.at[pl.ds(c * n_pad + p * qn + s * nqt, nqt)])

        plsc.subcore_barrier()
        return carry_p

    lax.fori_loop(0, _NQ, one_pass, 0)


def _mm_body(a_ref, w_ref, o_ref):
    o_ref[...] = jnp.maximum(
        jnp.dot(a_ref[...], w_ref[...], preferred_element_type=jnp.float32),
        0.0)


def kernel(x, nl_ind, nl_value, W0):
    B, N, D = x.shape
    E = nl_value.shape[0]
    assert D == 128 and B == _NSC

    qn = -(-N // (_NQ * _NTILES * 8)) * _NTILES * 8
    n_pad = _NQ * qn
    nqt = qn // _NTILES
    e_tile = -(-E // (_NTILES * _CHUNK_E)) * _CHUNK_E
    e_pad = _NTILES * e_tile

    src = nl_ind[:, 1]
    dst = nl_ind[:, 0]
    pad = e_pad - E
    src_p = jnp.concatenate([src, jnp.zeros((pad,), jnp.int32)])
    dst_p = jnp.concatenate([dst, jnp.zeros((pad,), jnp.int32)])
    val_p = jnp.concatenate([nl_value, jnp.zeros((pad,), jnp.float32)])
    srcp = src_p.reshape(e_pad // 128, 128)
    dstp = dst_p.reshape(e_pad // 128, 128)
    valp = val_p
    xf = x.reshape(B * N, D)
    zblk = jnp.zeros((nqt, D), jnp.float32)

    sc_call = pl.kernel(
        functools.partial(_sc_edge_body, N, n_pad, qn, nqt, e_tile),
        out_type=jax.ShapeDtypeStruct((B * n_pad, D), jnp.float32),
        mesh=plsc.VectorSubcoreMesh(core_axis_name="c", subcore_axis_name="s",
                                    num_cores=_NSC, num_subcores=_NTILES),
        compiler_params=pltpu.CompilerParams(needs_layout_passes=False),
        scratch_types=[
            pltpu.VMEM((_CHUNK_E // 128, 128), jnp.int32),
            pltpu.VMEM((_CHUNK_E // 128, 128), jnp.int32),
            pltpu.VMEM((_CHUNK_E,), jnp.float32),
            pltpu.VMEM((_BLK, 128), jnp.float32),
            pltpu.VMEM((_BLK, 128), jnp.float32),
            pltpu.VMEM((_RING,), jnp.int32),
            pltpu.VMEM((_RING,), jnp.int32),
            pltpu.VMEM((_RING,), jnp.float32),
            pltpu.VMEM((_BLK,), jnp.int32),
            pltpu.VMEM_SHARED((N, 128), jnp.float32),
            pltpu.VMEM_SHARED((qn, 128), jnp.float32),
            pltpu.SemaphoreType.DMA,
            pltpu.SemaphoreType.DMA,
        ],
    )
    aggf = sc_call(xf, srcp, dstp, valp, zblk)
    aggf = aggf.reshape(B, n_pad, D)[:, :N].reshape(B * N, D)

    rows_blk = 2000
    mm = pl.pallas_call(
        _mm_body,
        grid=(B * N // rows_blk,),
        in_specs=[
            pl.BlockSpec((rows_blk, D), lambda i: (i, 0)),
            pl.BlockSpec((D, D), lambda i: (0, 0)),
        ],
        out_specs=pl.BlockSpec((rows_blk, D), lambda i: (i, 0)),
        out_shape=jax.ShapeDtypeStruct((B * N, D), jnp.float32),
    )
    return mm(aggf, W0).reshape(B, N, D)

# --- scband reference (transcript-rebuilt; emitter-appended) ---
"""Pipeline reference for scband-graph-conv-55430847922416 (READ-ONLY COPY).

The authoritative reference and input builder live on the scoring server;
editing this copy changes nothing except your own understanding.
"""

import jax, jax.numpy as jnp
import numpy as np

B, N, E, D = 2, 10000, 320000, 128

def setup_inputs(seed: int = 0) -> dict:
    key = jax.random.key(seed)
    k1, k2, k3, k4 = jax.random.split(key, 4)
    x = jax.random.normal(k1, (B, N, D), dtype=jnp.float32)
    # nl_ind[:, 0] = destination node, nl_ind[:, 1] = source node
    nl_ind = jax.random.randint(k2, (E, 2), 0, N, dtype=jnp.int32)
    nl_value = jax.random.normal(k3, (E,), dtype=jnp.float32)
    # dims = [128, 128] -> single weight matrix W0: [dims[0], dims[1]]
    W0 = (jax.random.normal(k4, (D, D), dtype=jnp.float32) / np.sqrt(2 * D)).astype(jnp.float32)
    return {"x": x, "nl_ind": nl_ind, "nl_value": nl_value, "W0": W0}

def reference(x, nl_ind, nl_value, W0):
    # Faithful translation of GraphConv.forward with dims=[128,128] (one layer).
    num_batch = x.shape[0]
    num_node = x.shape[1]
    src = nl_ind[:, 1]
    dst = nl_ind[:, 0]
    out = x
    for W in (W0,):
        d_in = W.shape[0]
        # torch.index_select(out, 1, nl_ind[:, 1]) -> gather over node dim
        selected = jnp.take(out, src, axis=1)                 # [B, E, d_in]
        # einsum('x, bxn -> bxn', nl_value, selected)
        product = nl_value[None, :, None] * selected          # [B, E, d_in]
        # zeros(B, N, d).scatter_add_(1, dst, product)
        agg = jnp.zeros((num_batch, num_node, d_in), dtype=out.dtype)
        agg = agg.at[:, dst, :].add(product)                  # [B, N, d_in]
        out = jax.nn.relu(jnp.matmul(agg, W))                 # [B, N, d_out]
    return out

if __name__ == "__main__":
    import jax
    _d = setup_inputs()
    print(jax.jit(kernel)(*tuple(_d.values())))

</pallas_src>

<mosaic_0001>
#map = affine_map<(d0, d1) -> (0, 0)>
#map1 = affine_map<(d0, d1) -> (0)>
module attributes {stable_mosaic.version = 14 : i64} {
  func.func @_sc_edge_body(%arg0: i32, %arg1: i32, %arg2: memref<20000x128xf32, #tpu.memory_space<hbm>>, %arg3: memref<2560x128xi32, #tpu.memory_space<hbm>>, %arg4: memref<2560x128xi32, #tpu.memory_space<hbm>>, %arg5: memref<327680xf32, #tpu.memory_space<hbm>>, %arg6: memref<216x128xf32, #tpu.memory_space<hbm>>, %arg7: memref<20736x128xf32, #tpu.memory_space<hbm>>, %arg8: memref<8x128xi32, #tpu.memory_space<vmem>>, %arg9: memref<8x128xi32, #tpu.memory_space<vmem>>, %arg10: memref<1024xf32, #tpu.memory_space<vmem>>, %arg11: memref<64x128xf32, #tpu.memory_space<vmem>>, %arg12: memref<64x128xf32, #tpu.memory_space<vmem>>, %arg13: memref<1088xi32, #tpu.memory_space<vmem>>, %arg14: memref<1088xi32, #tpu.memory_space<vmem>>, %arg15: memref<1088xf32, #tpu.memory_space<vmem>>, %arg16: memref<64xi32, #tpu.memory_space<vmem>>, %arg17: memref<10000x128xf32, #tpu.memory_space<vmem_shared>>, %arg18: memref<3456x128xf32, #tpu.memory_space<vmem_shared>>, %arg19: memref<!tpu.dma_semaphore, #tpu.memory_space<semaphore_mem>>, %arg20: memref<!tpu.dma_semaphore, #tpu.memory_space<semaphore_mem>>) attributes {dimension_semantics = [#tpu.dimension_semantics<core_parallel>, #tpu.dimension_semantics<subcore_parallel>], iteration_bounds = array<i64: 2, 16>, scalar_prefetch = 0 : i64, scratch_operands = 13 : i64, tpu.core_type = #tpu.core_type<sc_vector_subcore>, window_params = [{transform_indices = #map}, {transform_indices = #map}, {transform_indices = #map}, {transform_indices = #map1}, {transform_indices = #map}, {transform_indices = #map}]} {
    %lt3A = arith.constant 15 : i32
    %lt3A_0 = arith.cmpi slt, %arg1, %lt3A : i32
    %convert_element_type3A = arith.extui %lt3A_0 : i1 to i32
    %cond3A = arith.constant 0 : i32
    %cond3A_1 = arith.cmpi ne, %convert_element_type3A, %cond3A : i32
    scf.if %cond3A_1 {
      %mul3A = arith.constant 10000 : i32
      %mul3A_11 = arith.muli %arg0, %mul3A : i32
      %mul3A_12 = arith.constant 632 : i32
      %mul3A_13 = arith.muli %arg1, %mul3A_12 : i32
      %add3A = arith.addi %mul3A_11, %mul3A_13 : i32
      %mul3A_14 = arith.constant 632 : i32
      %mul3A_15 = arith.muli %arg1, %mul3A_14 : i32
      "tpu.region"() ({
        %run_scoped3A = tpu.sem_alloc : memref<!tpu.dma_semaphore, #tpu.memory_space<semaphore_mem>>
        %dma_start3A = arith.constant 0 : i32
        %dma_start3A_16 = tpu.memref_slice %arg17[%mul3A_15, %dma_start3A] : memref<10000x128xf32, #tpu.memory_space<vmem_shared>> -> memref<632x128xf32, #tpu.memory_space<vmem_shared>>
        %dma_start3A_17 = arith.constant 0 : i32
        %dma_start3A_18 = tpu.memref_slice %arg2[%add3A, %dma_start3A_17] : memref<20000x128xf32, #tpu.memory_space<hbm>> -> memref<632x128xf32, #tpu.memory_space<hbm>>
        tpu.enqueue_dma source(%dma_start3A_18 : memref<632x128xf32, #tpu.memory_space<hbm>>) target(%dma_start3A_16 : memref<632x128xf32, #tpu.memory_space<vmem_shared>>) target_semaphore(%run_scoped3A : memref<!tpu.dma_semaphore, #tpu.memory_space<semaphore_mem>>)
        %dma_wait3A = arith.constant 0 : i32
        %dma_wait3A_19 = tpu.memref_slice %arg17[%mul3A_15, %dma_wait3A] : memref<10000x128xf32, #tpu.memory_space<vmem_shared>> -> memref<632x128xf32, #tpu.memory_space<vmem_shared>>
        %dma_wait3A_20 = arith.constant 0 : i32
        %dma_wait3A_21 = tpu.memref_slice %arg2[%add3A, %dma_wait3A_20] : memref<20000x128xf32, #tpu.memory_space<hbm>> -> memref<632x128xf32, #tpu.memory_space<hbm>>
        tpu.wait_dma2 semaphore(%run_scoped3A : memref<!tpu.dma_semaphore, #tpu.memory_space<semaphore_mem>>) src(%dma_wait3A_21 : memref<632x128xf32, #tpu.memory_space<hbm>>) dst(%dma_wait3A_19 : memref<632x128xf32, #tpu.memory_space<vmem_shared>>)
        tpu.yield
      }) : () -> ()
    } else {
    }
    %eq3A = arith.constant 15 : i32
    %eq3A_2 = arith.cmpi eq, %arg1, %eq3A : i32
    %convert_element_type3A_3 = arith.extui %eq3A_2 : i1 to i32
    %cond3A_4 = arith.constant 0 : i32
    %cond3A_5 = arith.cmpi ne, %convert_element_type3A_3, %cond3A_4 : i32
    scf.if %cond3A_5 {
      %mul3A = arith.constant 10000 : i32
      %mul3A_11 = arith.muli %arg0, %mul3A : i32
      %add3A = arith.constant 9480 : i32
      %add3A_12 = arith.addi %mul3A_11, %add3A : i32
      "tpu.region"() ({
        %run_scoped3A = tpu.sem_alloc : memref<!tpu.dma_semaphore, #tpu.memory_space<semaphore_mem>>
        %dma_start3A = arith.constant 9480 : i32
        %dma_start3A_13 = arith.constant 0 : i32
        %dma_start3A_14 = tpu.memref_slice %arg17[%dma_start3A, %dma_start3A_13] : memref<10000x128xf32, #tpu.memory_space<vmem_shared>> -> memref<520x128xf32, #tpu.memory_space<vmem_shared>>
        %dma_start3A_15 = arith.constant 0 : i32
        %dma_start3A_16 = tpu.memref_slice %arg2[%add3A_12, %dma_start3A_15] : memref<20000x128xf32, #tpu.memory_space<hbm>> -> memref<520x128xf32, #tpu.memory_space<hbm>>
        tpu.enqueue_dma source(%dma_start3A_16 : memref<520x128xf32, #tpu.memory_space<hbm>>) target(%dma_start3A_14 : memref<520x128xf32, #tpu.memory_space<vmem_shared>>) target_semaphore(%run_scoped3A : memref<!tpu.dma_semaphore, #tpu.memory_space<semaphore_mem>>)
        %dma_wait3A = arith.constant 9480 : i32
        %dma_wait3A_17 = arith.constant 0 : i32
        %dma_wait3A_18 = tpu.memref_slice %arg17[%dma_wait3A, %dma_wait3A_17] : memref<10000x128xf32, #tpu.memory_space<vmem_shared>> -> memref<520x128xf32, #tpu.memory_space<vmem_shared>>
        %dma_wait3A_19 = arith.constant 0 : i32
        %dma_wait3A_20 = tpu.memref_slice %arg2[%add3A_12, %dma_wait3A_19] : memref<20000x128xf32, #tpu.memory_space<hbm>> -> memref<520x128xf32, #tpu.memory_space<hbm>>
        tpu.wait_dma2 semaphore(%run_scoped3A : memref<!tpu.dma_semaphore, #tpu.memory_space<semaphore_mem>>) src(%dma_wait3A_20 : memref<520x128xf32, #tpu.memory_space<hbm>>) dst(%dma_wait3A_18 : memref<520x128xf32, #tpu.memory_space<vmem_shared>>)
        tpu.yield
      }) : () -> ()
    } else {
    }
    %scan3A = arith.constant 0 : i32
    %scan3A_6 = arith.constant 0 : i32
    %scan3A_7 = arith.constant 3 : i32
    %scan3A_8 = arith.addi %scan3A_6, %scan3A_7 : i32
    %scan3A_9 = arith.constant 1 : i32
    scf.for %scan3A_11 = %scan3A_6 to %scan3A_8 step %scan3A_9  : i32 {
      %mul3A = arith.constant 3456 : i32
      %mul3A_12 = arith.muli %scan3A_11, %mul3A : i32
      %mul3A_13 = arith.constant 216 : i32
      %mul3A_14 = arith.muli %arg1, %mul3A_13 : i32
      "tpu.region"() ({
        %run_scoped3A = tpu.sem_alloc : memref<!tpu.dma_semaphore, #tpu.memory_space<semaphore_mem>>
        %dma_start3A = arith.constant 0 : i32
        %dma_start3A_32 = tpu.memref_slice %arg18[%mul3A_14, %dma_start3A] : memref<3456x128xf32, #tpu.memory_space<vmem_shared>> -> memref<216x128xf32, #tpu.memory_space<vmem_shared>>
        tpu.enqueue_dma source(%arg6 : memref<216x128xf32, #tpu.memory_space<hbm>>) target(%dma_start3A_32 : memref<216x128xf32, #tpu.memory_space<vmem_shared>>) target_semaphore(%run_scoped3A : memref<!tpu.dma_semaphore, #tpu.memory_space<semaphore_mem>>)
        %dma_wait3A = arith.constant 0 : i32
        %dma_wait3A_33 = tpu.memref_slice %arg18[%mul3A_14, %dma_wait3A] : memref<3456x128xf32, #tpu.memory_space<vmem_shared>> -> memref<216x128xf32, #tpu.memory_space<vmem_shared>>
        tpu.wait_dma2 semaphore(%run_scoped3A : memref<!tpu.dma_semaphore, #tpu.memory_space<semaphore_mem>>) src(%arg6 : memref<216x128xf32, #tpu.memory_space<hbm>>) dst(%dma_wait3A_33 : memref<216x128xf32, #tpu.memory_space<vmem_shared>>)
        tpu.yield
      }) : () -> ()
      %barrier3A = arith.constant 0 : index
      tpu.barrier barrier_id(%barrier3A)
      %scan3A_15 = arith.constant 0 : i32
      %scan3A_16 = arith.constant 0 : i32
      %scan3A_17 = arith.constant 20 : i32
      %scan3A_18 = arith.addi %scan3A_16, %scan3A_17 : i32
      %scan3A_19 = arith.constant 1 : i32
      scf.for %scan3A_32 = %scan3A_16 to %scan3A_18 step %scan3A_19  : i32 {
        %mul3A_33 = arith.constant 160 : i32
        %mul3A_34 = arith.muli %arg1, %mul3A_33 : i32
        %mul3A_35 = arith.constant 8 : i32
        %mul3A_36 = arith.muli %scan3A_32, %mul3A_35 : i32
        %add3A_37 = arith.addi %mul3A_34, %mul3A_36 : i32
        "tpu.region"() ({
          %run_scoped3A = tpu.sem_alloc : memref<!tpu.dma_semaphore, #tpu.memory_space<semaphore_mem>>
          %dma_start3A = arith.constant 0 : i32
          %dma_start3A_111 = tpu.memref_slice %arg3[%add3A_37, %dma_start3A] : memref<2560x128xi32, #tpu.memory_space<hbm>> -> memref<8x128xi32, #tpu.memory_space<hbm>>
          %dma_start3A_112 = arith.constant 0 : i32
          %dma_start3A_113 = tpu.memref_slice %arg3[%add3A_37, %dma_start3A_112] : memref<2560x128xi32, #tpu.memory_space<hbm>> -> memref<8x128xi32, #tpu.memory_space<hbm>>
          tpu.enqueue_dma source(%dma_start3A_113 : memref<8x128xi32, #tpu.memory_space<hbm>>) target(%arg8 : memref<8x128xi32, #tpu.memory_space<vmem>>) target_semaphore(%run_scoped3A : memref<!tpu.dma_semaphore, #tpu.memory_space<semaphore_mem>>)
          %dma_wait3A = arith.constant 0 : i32
          %dma_wait3A_114 = tpu.memref_slice %arg3[%add3A_37, %dma_wait3A] : memref<2560x128xi32, #tpu.memory_space<hbm>> -> memref<8x128xi32, #tpu.memory_space<hbm>>
          %dma_wait3A_115 = arith.constant 0 : i32
          %dma_wait3A_116 = tpu.memref_slice %arg3[%add3A_37, %dma_wait3A_115] : memref<2560x128xi32, #tpu.memory_space<hbm>> -> memref<8x128xi32, #tpu.memory_space<hbm>>
          tpu.wait_dma2 semaphore(%run_scoped3A : memref<!tpu.dma_semaphore, #tpu.memory_space<semaphore_mem>>) src(%dma_wait3A_116 : memref<8x128xi32, #tpu.memory_space<hbm>>) dst(%arg8 : memref<8x128xi32, #tpu.memory_space<vmem>>)
          tpu.yield
        }) : () -> ()
        "tpu.region"() ({
          %run_scoped3A = tpu.sem_alloc : memref<!tpu.dma_semaphore, #tpu.memory_space<semaphore_mem>>
          %dma_start3A = arith.constant 0 : i32
          %dma_start3A_111 = tpu.memref_slice %arg4[%add3A_37, %dma_start3A] : memref<2560x128xi32, #tpu.memory_space<hbm>> -> memref<8x128xi32, #tpu.memory_space<hbm>>
          %dma_start3A_112 = arith.constant 0 : i32
          %dma_start3A_113 = tpu.memref_slice %arg4[%add3A_37, %dma_start3A_112] : memref<2560x128xi32, #tpu.memory_space<hbm>> -> memref<8x128xi32, #tpu.memory_space<hbm>>
          tpu.enqueue_dma source(%dma_start3A_113 : memref<8x128xi32, #tpu.memory_space<hbm>>) target(%arg9 : memref<8x128xi32, #tpu.memory_space<vmem>>) target_semaphore(%run_scoped3A : memref<!tpu.dma_semaphore, #tpu.memory_space<semaphore_mem>>)
          %dma_wait3A = arith.constant 0 : i32
          %dma_wait3A_114 = tpu.memref_slice %arg4[%add3A_37, %dma_wait3A] : memref<2560x128xi32, #tpu.memory_space<hbm>> -> memref<8x128xi32, #tpu.memory_space<hbm>>
          %dma_wait3A_115 = arith.constant 0 : i32
          %dma_wait3A_116 = tpu.memref_slice %arg4[%add3A_37, %dma_wait3A_115] : memref<2560x128xi32, #tpu.memory_space<hbm>> -> memref<8x128xi32, #tpu.memory_space<hbm>>
          tpu.wait_dma2 semaphore(%run_scoped3A : memref<!tpu.dma_semaphore, #tpu.memory_space<semaphore_mem>>) src(%dma_wait3A_116 : memref<8x128xi32, #tpu.memory_space<hbm>>) dst(%arg9 : memref<8x128xi32, #tpu.memory_space<vmem>>)
          tpu.yield
        }) : () -> ()
        %mul3A_38 = arith.constant 128 : i32
        %mul3A_39 = arith.muli %add3A_37, %mul3A_38 : i32
        "tpu.region"() ({
          %run_scoped3A = tpu.sem_alloc : memref<!tpu.dma_semaphore, #tpu.memory_space<semaphore_mem>>
          %dma_start3A = tpu.memref_slice %arg5[%mul3A_39] : memref<327680xf32, #tpu.memory_space<hbm>> -> memref<1024xf32, #tpu.memory_space<hbm>>
          %dma_start3A_111 = tpu.memref_slice %arg5[%mul3A_39] : memref<327680xf32, #tpu.memory_space<hbm>> -> memref<1024xf32, #tpu.memory_space<hbm>>
          tpu.enqueue_dma source(%dma_start3A_111 : memref<1024xf32, #tpu.memory_space<hbm>>) target(%arg10 : memref<1024xf32, #tpu.memory_space<vmem>>) target_semaphore(%run_scoped3A : memref<!tpu.dma_semaphore, #tpu.memory_space<semaphore_mem>>)
          %dma_wait3A = tpu.memref_slice %arg5[%mul3A_39] : memref<327680xf32, #tpu.memory_space<hbm>> -> memref<1024xf32, #tpu.memory_space<hbm>>
          %dma_wait3A_112 = tpu.memref_slice %arg5[%mul3A_39] : memref<327680xf32, #tpu.memory_space<hbm>> -> memref<1024xf32, #tpu.memory_space<hbm>>
          tpu.wait_dma2 semaphore(%run_scoped3A : memref<!tpu.dma_semaphore, #tpu.memory_space<semaphore_mem>>) src(%dma_wait3A_112 : memref<1024xf32, #tpu.memory_space<hbm>>) dst(%arg10 : memref<1024xf32, #tpu.memory_space<vmem>>)
          tpu.yield
        }) : () -> ()
        %scan3A_40 = arith.constant 0 : i32
        %scan3A_41 = arith.constant 0 : i32
        %scan3A_42 = arith.constant 16 : i32
        %scan3A_43 = arith.addi %scan3A_41, %scan3A_42 : i32
        %scan3A_44 = arith.constant 1 : i32
        %scan3A_45 = scf.for %scan3A_111 = %scan3A_41 to %scan3A_43 step %scan3A_44 iter_args(%scan3A_112 = %scan3A_40) -> (i32)  : i32 {
          %mul3A_113 = arith.constant 4 : i32
          %mul3A_114 = arith.muli %mul3A_113, %scan3A_111 : i32
          %add3A_115 = arith.constant 0 : i32
          %add3A_116 = arith.addi %mul3A_114, %add3A_115 : i32
          %shift_right_arithmetic3A_117 = arith.constant 3 : i32
          %shift_right_arithmetic3A_118 = arith.shrsi %add3A_116, %shift_right_arithmetic3A_117 : i32
          %and3A = arith.constant 7 : i32
          %and3A_119 = arith.andi %add3A_116, %and3A : i32
          %mul3A_120 = arith.constant 16 : i32
          %mul3A_121 = arith.muli %and3A_119, %mul3A_120 : i32
          %get3A = arith.index_cast %shift_right_arithmetic3A_118 : i32 to index
          %get3A_122 = arith.index_cast %mul3A_121 : i32 to index
          %get3A_123 = tpu.vector_load %arg8[%get3A, %get3A_122] {strides = array<i32>} : memref<8x128xi32, #tpu.memory_space<vmem>>, vector<16xi32>,
          %get3A_124 = arith.index_cast %shift_right_arithmetic3A_118 : i32 to index
          %get3A_125 = arith.index_cast %mul3A_121 : i32 to index
          %get3A_126 = tpu.vector_load %arg9[%get3A_124, %get3A_125] {strides = array<i32>} : memref<8x128xi32, #tpu.memory_space<vmem>>, vector<16xi32>,
          %mul3A_127 = arith.constant 16 : i32
          %mul3A_128 = arith.muli %add3A_116, %mul3A_127 : i32
          %get3A_129 = arith.index_cast %mul3A_128 : i32 to index
          %get3A_130 = tpu.vector_load %arg10[%get3A_129] {strides = array<i32>} : memref<1024xf32, #tpu.memory_space<vmem>>, vector<16xf32>,
          %sub3A_131 = vector.broadcast %mul3A_12 : i32 to vector<16xi32>
          %sub3A_132 = arith.subi %get3A_126, %sub3A_131 : vector<16xi32>
          %ge3A = arith.constant 0 : i32
          %ge3A_133 = vector.broadcast %ge3A : i32 to vector<16xi32>
          %ge3A_134 = arith.cmpi sge, %sub3A_132, %ge3A_133 : vector<16xi32>
          %lt3A_135 = arith.constant 3456 : i32
          %lt3A_136 = vector.broadcast %lt3A_135 : i32 to vector<16xi32>
          %lt3A_137 = arith.cmpi slt, %sub3A_132, %lt3A_136 : vector<16xi32>
          %and3A_138 = arith.andi %ge3A_134, %lt3A_137 : vector<16xi1>
          %swap3A_139 = arith.index_cast %scan3A_112 : i32 to index
          %swap3A_140 = tpu.vector_load %arg13[%swap3A_139] masked %and3A_138 {strides = array<i32>} : memref<1088xi32, #tpu.memory_space<vmem>>, vector<16xi32>, vector<16xi1>
          tpu.vector_store %arg13[%swap3A_139], %get3A_123 masked %and3A_138 {strides = array<i32>} : memref<1088xi32, #tpu.memory_space<vmem>>, vector<16xi32>, vector<16xi1>
          %swap3A_141 = arith.index_cast %scan3A_112 : i32 to index
          %swap3A_142 = tpu.vector_load %arg14[%swap3A_141] masked %and3A_138 {strides = array<i32>} : memref<1088xi32, #tpu.memory_space<vmem>>, vector<16xi32>, vector<16xi1>
          tpu.vector_store %arg14[%swap3A_141], %sub3A_132 masked %and3A_138 {strides = array<i32>} : memref<1088xi32, #tpu.memory_space<vmem>>, vector<16xi32>, vector<16xi1>
          %swap3A_143 = arith.index_cast %scan3A_112 : i32 to index
          %swap3A_144 = tpu.vector_load %arg15[%swap3A_143] masked %and3A_138 {strides = array<i32>} : memref<1088xf32, #tpu.memory_space<vmem>>, vector<16xf32>, vector<16xi1>
          tpu.vector_store %arg15[%swap3A_143], %get3A_130 masked %and3A_138 {strides = array<i32>} : memref<1088xf32, #tpu.memory_space<vmem>>, vector<16xf32>, vector<16xi1>
          %all_reduce_population_count3A = tpu.all_reduce %and3A_138 {dim = 0 : i64, kind = #tpu.reduction_kind<sum>} : vector<16xi1> -> vector<16xi32>
          %reduce_max3A = arith.constant true
          %reduce_max3A_145 = vector.broadcast %reduce_max3A : i1 to vector<16xi1>
          %reduce_max3A_146 = arith.constant -2147483648 : i32
          %reduce_max3A_147 = vector.broadcast %reduce_max3A_146 : i32 to vector<16xi32>
          %reduce_max3A_148 = arith.xori %all_reduce_population_count3A, %reduce_max3A_147 : vector<16xi32>
          %reduce_max3A_149 = tpu.scan <max>, %reduce_max3A_148 masked %reduce_max3A_145 : vector<16xi32>, vector<16xi1> -> vector<16xi32>
          %reduce_max3A_150 = arith.xori %reduce_max3A_149, %reduce_max3A_147 : vector<16xi32>
          %reduce_max3A_151 = vector.extract %reduce_max3A_150[15] : i32 from vector<16xi32>
          %add3A_152 = arith.addi %scan3A_112, %reduce_max3A_151 : i32
          %mul3A_153 = arith.constant 4 : i32
          %mul3A_154 = arith.muli %mul3A_153, %scan3A_111 : i32
          %add3A_155 = arith.constant 1 : i32
          %add3A_156 = arith.addi %mul3A_154, %add3A_155 : i32
          %shift_right_arithmetic3A_157 = arith.constant 3 : i32
          %shift_right_arithmetic3A_158 = arith.shrsi %add3A_156, %shift_right_arithmetic3A_157 : i32
          %and3A_159 = arith.constant 7 : i32
          %and3A_160 = arith.andi %add3A_156, %and3A_159 : i32
          %mul3A_161 = arith.constant 16 : i32
          %mul3A_162 = arith.muli %and3A_160, %mul3A_161 : i32
          %get3A_163 = arith.index_cast %shift_right_arithmetic3A_158 : i32 to index
          %get3A_164 = arith.index_cast %mul3A_162 : i32 to index
          %get3A_165 = tpu.vector_load %arg8[%get3A_163, %get3A_164] {strides = array<i32>} : memref<8x128xi32, #tpu.memory_space<vmem>>, vector<16xi32>,
          %get3A_166 = arith.index_cast %shift_right_arithmetic3A_158 : i32 to index
          %get3A_167 = arith.index_cast %mul3A_162 : i32 to index
          %get3A_168 = tpu.vector_load %arg9[%get3A_166, %get3A_167] {strides = array<i32>} : memref<8x128xi32, #tpu.memory_space<vmem>>, vector<16xi32>,
          %mul3A_169 = arith.constant 16 : i32
          %mul3A_170 = arith.muli %add3A_156, %mul3A_169 : i32
          %get3A_171 = arith.index_cast %mul3A_170 : i32 to index
          %get3A_172 = tpu.vector_load %arg10[%get3A_171] {strides = array<i32>} : memref<1024xf32, #tpu.memory_space<vmem>>, vector<16xf32>,
          %sub3A_173 = vector.broadcast %mul3A_12 : i32 to vector<16xi32>
          %sub3A_174 = arith.subi %get3A_168, %sub3A_173 : vector<16xi32>
          %ge3A_175 = arith.constant 0 : i32
          %ge3A_176 = vector.broadcast %ge3A_175 : i32 to vector<16xi32>
          %ge3A_177 = arith.cmpi sge, %sub3A_174, %ge3A_176 : vector<16xi32>
          %lt3A_178 = arith.constant 3456 : i32
          %lt3A_179 = vector.broadcast %lt3A_178 : i32 to vector<16xi32>
          %lt3A_180 = arith.cmpi slt, %sub3A_174, %lt3A_179 : vector<16xi32>
          %and3A_181 = arith.andi %ge3A_177, %lt3A_180 : vector<16xi1>
          %swap3A_182 = arith.index_cast %add3A_152 : i32 to index
          %swap3A_183 = tpu.vector_load %arg13[%swap3A_182] masked %and3A_181 {strides = array<i32>} : memref<1088xi32, #tpu.memory_space<vmem>>, vector<16xi32>, vector<16xi1>
          tpu.vector_store %arg13[%swap3A_182], %get3A_165 masked %and3A_181 {strides = array<i32>} : memref<1088xi32, #tpu.memory_space<vmem>>, vector<16xi32>, vector<16xi1>
          %swap3A_184 = arith.index_cast %add3A_152 : i32 to index
          %swap3A_185 = tpu.vector_load %arg14[%swap3A_184] masked %and3A_181 {strides = array<i32>} : memref<1088xi32, #tpu.memory_space<vmem>>, vector<16xi32>, vector<16xi1>
          tpu.vector_store %arg14[%swap3A_184], %sub3A_174 masked %and3A_181 {strides = array<i32>} : memref<1088xi32, #tpu.memory_space<vmem>>, vector<16xi32>, vector<16xi1>
          %swap3A_186 = arith.index_cast %add3A_152 : i32 to index
          %swap3A_187 = tpu.vector_load %arg15[%swap3A_186] masked %and3A_181 {strides = array<i32>} : memref<1088xf32, #tpu.memory_space<vmem>>, vector<16xf32>, vector<16xi1>
          tpu.vector_store %arg15[%swap3A_186], %get3A_172 masked %and3A_181 {strides = array<i32>} : memref<1088xf32, #tpu.memory_space<vmem>>, vector<16xf32>, vector<16xi1>
          %all_reduce_population_count3A_188 = tpu.all_reduce %and3A_181 {dim = 0 : i64, kind = #tpu.reduction_kind<sum>} : vector<16xi1> -> vector<16xi32>
          %reduce_max3A_189 = arith.constant true
          %reduce_max3A_190 = vector.broadcast %reduce_max3A_189 : i1 to vector<16xi1>
          %reduce_max3A_191 = arith.constant -2147483648 : i32
          %reduce_max3A_192 = vector.broadcast %reduce_max3A_191 : i32 to vector<16xi32>
          %reduce_max3A_193 = arith.xori %all_reduce_population_count3A_188, %reduce_max3A_192 : vector<16xi32>
          %reduce_max3A_194 = tpu.scan <max>, %reduce_max3A_193 masked %reduce_max3A_190 : vector<16xi32>, vector<16xi1> -> vector<16xi32>
          %reduce_max3A_195 = arith.xori %reduce_max3A_194, %reduce_max3A_192 : vector<16xi32>
          %reduce_max3A_196 = vector.extract %reduce_max3A_195[15] : i32 from vector<16xi32>
          %add3A_197 = arith.addi %add3A_152, %reduce_max3A_196 : i32
          %mul3A_198 = arith.constant 4 : i32
          %mul3A_199 = arith.muli %mul3A_198, %scan3A_111 : i32
          %add3A_200 = arith.constant 2 : i32
          %add3A_201 = arith.addi %mul3A_199, %add3A_200 : i32
          %shift_right_arithmetic3A_202 = arith.constant 3 : i32
          %shift_right_arithmetic3A_203 = arith.shrsi %add3A_201, %shift_right_arithmetic3A_202 : i32
          %and3A_204 = arith.constant 7 : i32
          %and3A_205 = arith.andi %add3A_201, %and3A_204 : i32
          %mul3A_206 = arith.constant 16 : i32
          %mul3A_207 = arith.muli %and3A_205, %mul3A_206 : i32
          %get3A_208 = arith.index_cast %shift_right_arithmetic3A_203 : i32 to index
          %get3A_209 = arith.index_cast %mul3A_207 : i32 to index
          %get3A_210 = tpu.vector_load %arg8[%get3A_208, %get3A_209] {strides = array<i32>} : memref<8x128xi32, #tpu.memory_space<vmem>>, vector<16xi32>,
          %get3A_211 = arith.index_cast %shift_right_arithmetic3A_203 : i32 to index
          %get3A_212 = arith.index_cast %mul3A_207 : i32 to index
          %get3A_213 = tpu.vector_load %arg9[%get3A_211, %get3A_212] {strides = array<i32>} : memref<8x128xi32, #tpu.memory_space<vmem>>, vector<16xi32>,
          %mul3A_214 = arith.constant 16 : i32
          %mul3A_215 = arith.muli %add3A_201, %mul3A_214 : i32
          %get3A_216 = arith.index_cast %mul3A_215 : i32 to index
          %get3A_217 = tpu.vector_load %arg10[%get3A_216] {strides = array<i32>} : memref<1024xf32, #tpu.memory_space<vmem>>, vector<16xf32>,
          %sub3A_218 = vector.broadcast %mul3A_12 : i32 to vector<16xi32>
          %sub3A_219 = arith.subi %get3A_213, %sub3A_218 : vector<16xi32>
          %ge3A_220 = arith.constant 0 : i32
          %ge3A_221 = vector.broadcast %ge3A_220 : i32 to vector<16xi32>
          %ge3A_222 = arith.cmpi sge, %sub3A_219, %ge3A_221 : vector<16xi32>
          %lt3A_223 = arith.constant 3456 : i32
          %lt3A_224 = vector.broadcast %lt3A_223 : i32 to vector<16xi32>
          %lt3A_225 = arith.cmpi slt, %sub3A_219, %lt3A_224 : vector<16xi32>
          %and3A_226 = arith.andi %ge3A_222, %lt3A_225 : vector<16xi1>
          %swap3A_227 = arith.index_cast %add3A_197 : i32 to index
          %swap3A_228 = tpu.vector_load %arg13[%swap3A_227] masked %and3A_226 {strides = array<i32>} : memref<1088xi32, #tpu.memory_space<vmem>>, vector<16xi32>, vector<16xi1>
          tpu.vector_store %arg13[%swap3A_227], %get3A_210 masked %and3A_226 {strides = array<i32>} : memref<1088xi32, #tpu.memory_space<vmem>>, vector<16xi32>, vector<16xi1>
          %swap3A_229 = arith.index_cast %add3A_197 : i32 to index
          %swap3A_230 = tpu.vector_load %arg14[%swap3A_229] masked %and3A_226 {strides = array<i32>} : memref<1088xi32, #tpu.memory_space<vmem>>, vector<16xi32>, vector<16xi1>
          tpu.vector_store %arg14[%swap3A_229], %sub3A_219 masked %and3A_226 {strides = array<i32>} : memref<1088xi32, #tpu.memory_space<vmem>>, vector<16xi32>, vector<16xi1>
          %swap3A_231 = arith.index_cast %add3A_197 : i32 to index
          %swap3A_232 = tpu.vector_load %arg15[%swap3A_231] masked %and3A_226 {strides = array<i32>} : memref<1088xf32, #tpu.memory_space<vmem>>, vector<16xf32>, vector<16xi1>
          tpu.vector_store %arg15[%swap3A_231], %get3A_217 masked %and3A_226 {strides = array<i32>} : memref<1088xf32, #tpu.memory_space<vmem>>, vector<16xf32>, vector<16xi1>
          %all_reduce_population_count3A_233 = tpu.all_reduce %and3A_226 {dim = 0 : i64, kind = #tpu.reduction_kind<sum>} : vector<16xi1> -> vector<16xi32>
          %reduce_max3A_234 = arith.constant true
          %reduce_max3A_235 = vector.broadcast %reduce_max3A_234 : i1 to vector<16xi1>
          %reduce_max3A_236 = arith.constant -2147483648 : i32
          %reduce_max3A_237 = vector.broadcast %reduce_max3A_236 : i32 to vector<16xi32>
          %reduce_max3A_238 = arith.xori %all_reduce_population_count3A_233, %reduce_max3A_237 : vector<16xi32>
          %reduce_max3A_239 = tpu.scan <max>, %reduce_max3A_238 masked %reduce_max3A_235 : vector<16xi32>, vector<16xi1> -> vector<16xi32>
          %reduce_max3A_240 = arith.xori %reduce_max3A_239, %reduce_max3A_237 : vector<16xi32>
          %reduce_max3A_241 = vector.extract %reduce_max3A_240[15] : i32 from vector<16xi32>
          %add3A_242 = arith.addi %add3A_197, %reduce_max3A_241 : i32
          %mul3A_243 = arith.constant 4 : i32
          %mul3A_244 = arith.muli %mul3A_243, %scan3A_111 : i32
          %add3A_245 = arith.constant 3 : i32
          %add3A_246 = arith.addi %mul3A_244, %add3A_245 : i32
          %shift_right_arithmetic3A_247 = arith.constant 3 : i32
          %shift_right_arithmetic3A_248 = arith.shrsi %add3A_246, %shift_right_arithmetic3A_247 : i32
          %and3A_249 = arith.constant 7 : i32
          %and3A_250 = arith.andi %add3A_246, %and3A_249 : i32
          %mul3A_251 = arith.constant 16 : i32
          %mul3A_252 = arith.muli %and3A_250, %mul3A_251 : i32
          %get3A_253 = arith.index_cast %shift_right_arithmetic3A_248 : i32 to index
          %get3A_254 = arith.index_cast %mul3A_252 : i32 to index
          %get3A_255 = tpu.vector_load %arg8[%get3A_253, %get3A_254] {strides = array<i32>} : memref<8x128xi32, #tpu.memory_space<vmem>>, vector<16xi32>,
          %get3A_256 = arith.index_cast %shift_right_arithmetic3A_248 : i32 to index
          %get3A_257 = arith.index_cast %mul3A_252 : i32 to index
          %get3A_258 = tpu.vector_load %arg9[%get3A_256, %get3A_257] {strides = array<i32>} : memref<8x128xi32, #tpu.memory_space<vmem>>, vector<16xi32>,
          %mul3A_259 = arith.constant 16 : i32
          %mul3A_260 = arith.muli %add3A_246, %mul3A_259 : i32
          %get3A_261 = arith.index_cast %mul3A_260 : i32 to index
          %get3A_262 = tpu.vector_load %arg10[%get3A_261] {strides = array<i32>} : memref<1024xf32, #tpu.memory_space<vmem>>, vector<16xf32>,
          %sub3A_263 = vector.broadcast %mul3A_12 : i32 to vector<16xi32>
          %sub3A_264 = arith.subi %get3A_258, %sub3A_263 : vector<16xi32>
          %ge3A_265 = arith.constant 0 : i32
          %ge3A_266 = vector.broadcast %ge3A_265 : i32 to vector<16xi32>
          %ge3A_267 = arith.cmpi sge, %sub3A_264, %ge3A_266 : vector<16xi32>
          %lt3A_268 = arith.constant 3456 : i32
          %lt3A_269 = vector.broadcast %lt3A_268 : i32 to vector<16xi32>
          %lt3A_270 = arith.cmpi slt, %sub3A_264, %lt3A_269 : vector<16xi32>
          %and3A_271 = arith.andi %ge3A_267, %lt3A_270 : vector<16xi1>
          %swap3A_272 = arith.index_cast %add3A_242 : i32 to index
          %swap3A_273 = tpu.vector_load %arg13[%swap3A_272] masked %and3A_271 {strides = array<i32>} : memref<1088xi32, #tpu.memory_space<vmem>>, vector<16xi32>, vector<16xi1>
          tpu.vector_store %arg13[%swap3A_272], %get3A_255 masked %and3A_271 {strides = array<i32>} : memref<1088xi32, #tpu.memory_space<vmem>>, vector<16xi32>, vector<16xi1>
          %swap3A_274 = arith.index_cast %add3A_242 : i32 to index
          %swap3A_275 = tpu.vector_load %arg14[%swap3A_274] masked %and3A_271 {strides = array<i32>} : memref<1088xi32, #tpu.memory_space<vmem>>, vector<16xi32>, vector<16xi1>
          tpu.vector_store %arg14[%swap3A_274], %sub3A_264 masked %and3A_271 {strides = array<i32>} : memref<1088xi32, #tpu.memory_space<vmem>>, vector<16xi32>, vector<16xi1>
          %swap3A_276 = arith.index_cast %add3A_242 : i32 to index
          %swap3A_277 = tpu.vector_load %arg15[%swap3A_276] masked %and3A_271 {strides = array<i32>} : memref<1088xf32, #tpu.memory_space<vmem>>, vector<16xf32>, vector<16xi1>
          tpu.vector_store %arg15[%swap3A_276], %get3A_262 masked %and3A_271 {strides = array<i32>} : memref<1088xf32, #tpu.memory_space<vmem>>, vector<16xf32>, vector<16xi1>
          %all_reduce_population_count3A_278 = tpu.all_reduce %and3A_271 {dim = 0 : i64, kind = #tpu.reduction_kind<sum>} : vector<16xi1> -> vector<16xi32>
          %reduce_max3A_279 = arith.constant true
          %reduce_max3A_280 = vector.broadcast %reduce_max3A_279 : i1 to vector<16xi1>
          %reduce_max3A_281 = arith.constant -2147483648 : i32
          %reduce_max3A_282 = vector.broadcast %reduce_max3A_281 : i32 to vector<16xi32>
          %reduce_max3A_283 = arith.xori %all_reduce_population_count3A_278, %reduce_max3A_282 : vector<16xi32>
          %reduce_max3A_284 = tpu.scan <max>, %reduce_max3A_283 masked %reduce_max3A_280 : vector<16xi32>, vector<16xi1> -> vector<16xi32>
          %reduce_max3A_285 = arith.xori %reduce_max3A_284, %reduce_max3A_282 : vector<16xi32>
          %reduce_max3A_286 = vector.extract %reduce_max3A_285[15] : i32 from vector<16xi32>
          %add3A_287 = arith.addi %add3A_242, %reduce_max3A_286 : i32
          scf.yield %add3A_287 : i32
        }
        %scan3A_46 = arith.constant 16 : i32
        %broadcast_in_dim3A = arith.constant 0.000000e+00 : f32
        %broadcast_in_dim3A_47 = vector.broadcast %broadcast_in_dim3A : f32 to vector<16xf32>
        %broadcast_in_dim3A_48 = arith.constant 0 : i32
        %broadcast_in_dim3A_49 = vector.broadcast %broadcast_in_dim3A_48 : i32 to vector<16xi32>
        %add3A_50 = arith.constant 0 : i32
        %add3A_51 = arith.addi %scan3A_45, %add3A_50 : i32
        %swap3A = arith.index_cast %add3A_51 : i32 to index
        %swap3A_52 = tpu.vector_load %arg15[%swap3A] {strides = array<i32>} : memref<1088xf32, #tpu.memory_space<vmem>>, vector<16xf32>,
        tpu.vector_store %arg15[%swap3A], %broadcast_in_dim3A_47 {strides = array<i32>} : memref<1088xf32, #tpu.memory_space<vmem>>, vector<16xf32>,
        %add3A_53 = arith.constant 0 : i32
        %add3A_54 = arith.addi %scan3A_45, %add3A_53 : i32
        %swap3A_55 = arith.index_cast %add3A_54 : i32 to index
        %swap3A_56 = tpu.vector_load %arg14[%swap3A_55] {strides = array<i32>} : memref<1088xi32, #tpu.memory_space<vmem>>, vector<16xi32>,
        tpu.vector_store %arg14[%swap3A_55], %broadcast_in_dim3A_49 {strides = array<i32>} : memref<1088xi32, #tpu.memory_space<vmem>>, vector<16xi32>,
        %add3A_57 = arith.constant 0 : i32
        %add3A_58 = arith.addi %scan3A_45, %add3A_57 : i32
        %swap3A_59 = arith.index_cast %add3A_58 : i32 to index
        %swap3A_60 = tpu.vector_load %arg13[%swap3A_59] {strides = array<i32>} : memref<1088xi32, #tpu.memory_space<vmem>>, vector<16xi32>,
        tpu.vector_store %arg13[%swap3A_59], %broadcast_in_dim3A_49 {strides = array<i32>} : memref<1088xi32, #tpu.memory_space<vmem>>, vector<16xi32>,
        %add3A_61 = arith.constant 16 : i32
        %add3A_62 = arith.addi %scan3A_45, %add3A_61 : i32
        %swap3A_63 = arith.index_cast %add3A_62 : i32 to index
        %swap3A_64 = tpu.vector_load %arg15[%swap3A_63] {strides = array<i32>} : memref<1088xf32, #tpu.memory_space<vmem>>, vector<16xf32>,
        tpu.vector_store %arg15[%swap3A_63], %broadcast_in_dim3A_47 {strides = array<i32>} : memref<1088xf32, #tpu.memory_space<vmem>>, vector<16xf32>,
        %add3A_65 = arith.constant 16 : i32
        %add3A_66 = arith.addi %scan3A_45, %add3A_65 : i32
        %swap3A_67 = arith.index_cast %add3A_66 : i32 to index
        %swap3A_68 = tpu.vector_load %arg14[%swap3A_67] {strides = array<i32>} : memref<1088xi32, #tpu.memory_space<vmem>>, vector<16xi32>,
        tpu.vector_store %arg14[%swap3A_67], %broadcast_in_dim3A_49 {strides = array<i32>} : memref<1088xi32, #tpu.memory_space<vmem>>, vector<16xi32>,
        %add3A_69 = arith.constant 16 : i32
        %add3A_70 = arith.addi %scan3A_45, %add3A_69 : i32
        %swap3A_71 = arith.index_cast %add3A_70 : i32 to index
        %swap3A_72 = tpu.vector_load %arg13[%swap3A_71] {strides = array<i32>} : memref<1088xi32, #tpu.memory_space<vmem>>, vector<16xi32>,
        tpu.vector_store %arg13[%swap3A_71], %broadcast_in_dim3A_49 {strides = array<i32>} : memref<1088xi32, #tpu.memory_space<vmem>>, vector<16xi32>,
        %add3A_73 = arith.constant 32 : i32
        %add3A_74 = arith.addi %scan3A_45, %add3A_73 : i32
        %swap3A_75 = arith.index_cast %add3A_74 : i32 to index
        %swap3A_76 = tpu.vector_load %arg15[%swap3A_75] {strides = array<i32>} : memref<1088xf32, #tpu.memory_space<vmem>>, vector<16xf32>,
        tpu.vector_store %arg15[%swap3A_75], %broadcast_in_dim3A_47 {strides = array<i32>} : memref<1088xf32, #tpu.memory_space<vmem>>, vector<16xf32>,
        %add3A_77 = arith.constant 32 : i32
        %add3A_78 = arith.addi %scan3A_45, %add3A_77 : i32
        %swap3A_79 = arith.index_cast %add3A_78 : i32 to index
        %swap3A_80 = tpu.vector_load %arg14[%swap3A_79] {strides = array<i32>} : memref<1088xi32, #tpu.memory_space<vmem>>, vector<16xi32>,
        tpu.vector_store %arg14[%swap3A_79], %broadcast_in_dim3A_49 {strides = array<i32>} : memref<1088xi32, #tpu.memory_space<vmem>>, vector<16xi32>,
        %add3A_81 = arith.constant 32 : i32
        %add3A_82 = arith.addi %scan3A_45, %add3A_81 : i32
        %swap3A_83 = arith.index_cast %add3A_82 : i32 to index
        %swap3A_84 = tpu.vector_load %arg13[%swap3A_83] {strides = array<i32>} : memref<1088xi32, #tpu.memory_space<vmem>>, vector<16xi32>,
        tpu.vector_store %arg13[%swap3A_83], %broadcast_in_dim3A_49 {strides = array<i32>} : memref<1088xi32, #tpu.memory_space<vmem>>, vector<16xi32>,
        %add3A_85 = arith.constant 48 : i32
        %add3A_86 = arith.addi %scan3A_45, %add3A_85 : i32
        %swap3A_87 = arith.index_cast %add3A_86 : i32 to index
        %swap3A_88 = tpu.vector_load %arg15[%swap3A_87] {strides = array<i32>} : memref<1088xf32, #tpu.memory_space<vmem>>, vector<16xf32>,
        tpu.vector_store %arg15[%swap3A_87], %broadcast_in_dim3A_47 {strides = array<i32>} : memref<1088xf32, #tpu.memory_space<vmem>>, vector<16xf32>,
        %add3A_89 = arith.constant 48 : i32
        %add3A_90 = arith.addi %scan3A_45, %add3A_89 : i32
        %swap3A_91 = arith.index_cast %add3A_90 : i32 to index
        %swap3A_92 = tpu.vector_load %arg14[%swap3A_91] {strides = array<i32>} : memref<1088xi32, #tpu.memory_space<vmem>>, vector<16xi32>,
        tpu.vector_store %arg14[%swap3A_91], %broadcast_in_dim3A_49 {strides = array<i32>} : memref<1088xi32, #tpu.memory_space<vmem>>, vector<16xi32>,
        %add3A_93 = arith.constant 48 : i32
        %add3A_94 = arith.addi %scan3A_45, %add3A_93 : i32
        %swap3A_95 = arith.index_cast %add3A_94 : i32 to index
        %swap3A_96 = tpu.vector_load %arg13[%swap3A_95] {strides = array<i32>} : memref<1088xi32, #tpu.memory_space<vmem>>, vector<16xi32>,
        tpu.vector_store %arg13[%swap3A_95], %broadcast_in_dim3A_49 {strides = array<i32>} : memref<1088xi32, #tpu.memory_space<vmem>>, vector<16xi32>,
        %add3A_97 = arith.constant 64 : i32
        %add3A_98 = arith.addi %scan3A_45, %add3A_97 : i32
        %sub3A = arith.constant 1 : i32
        %sub3A_99 = arith.subi %add3A_98, %sub3A : i32
        %shift_right_arithmetic3A = arith.constant 6 : i32
        %shift_right_arithmetic3A_100 = arith.shrsi %sub3A_99, %shift_right_arithmetic3A : i32
        %gt3A = arith.constant 0 : i32
        %gt3A_101 = arith.cmpi sgt, %shift_right_arithmetic3A_100, %gt3A : i32
        %convert_element_type3A_102 = arith.extui %gt3A_101 : i1 to i32
        %cond3A_103 = arith.constant 0 : i32
        %cond3A_104 = arith.cmpi ne, %convert_element_type3A_102, %cond3A_103 : i32
        scf.if %cond3A_104 {
          %dma_start3A = arith.constant 0 : i32
          %dma_start3A_111 = tpu.memref_slice %arg13[%dma_start3A] : memref<1088xi32, #tpu.memory_space<vmem>> -> memref<64xi32, #tpu.memory_space<vmem>>
          %dma_start3A_112 = arith.constant 0 : i32
          %dma_start3A_113 = arith.constant 0 : i32
          %dma_start3A_114 = tpu.memref_slice %arg17[%dma_start3A_112, %dma_start3A_113] : memref<10000x128xf32, #tpu.memory_space<vmem_shared>> -> memref<10000x128xf32, #tpu.memory_space<vmem_shared>>
          tpu.enqueue_indirect_dma source(%dma_start3A_114 : memref<10000x128xf32, #tpu.memory_space<vmem_shared>>) target(%arg11 : memref<64x128xf32, #tpu.memory_space<vmem>>) offsets(%dma_start3A_111 : memref<64xi32, #tpu.memory_space<vmem>>) semaphore(%arg19 : memref<!tpu.dma_semaphore, #tpu.memory_space<semaphore_mem>>)
        } else {
        }
        %scan3A_105 = arith.constant 0 : i32
        %scan3A_106 = arith.constant 0 : i32
        %scan3A_107 = arith.constant 9 : i32
        %scan3A_108 = arith.addi %scan3A_106, %scan3A_107 : i32
        %scan3A_109 = arith.constant 1 : i32
        scf.for %scan3A_111 = %scan3A_106 to %scan3A_108 step %scan3A_109  : i32 {
          %mul3A_112 = arith.constant 2 : i32
          %mul3A_113 = arith.muli %mul3A_112, %scan3A_111 : i32
          %add3A_114 = arith.constant 0 : i32
          %add3A_115 = arith.addi %mul3A_113, %add3A_114 : i32
          %lt3A_116 = arith.cmpi slt, %add3A_115, %shift_right_arithmetic3A_100 : i32
          %convert_element_type3A_117 = arith.extui %lt3A_116 : i1 to i32
          %cond3A_118 = arith.constant 0 : i32
          %cond3A_119 = arith.cmpi ne, %convert_element_type3A_117, %cond3A_118 : i32
          scf.if %cond3A_119 {
            %add3A_128 = arith.constant 1 : i32
            %add3A_129 = arith.addi %add3A_115, %add3A_128 : i32
            %lt3A_130 = arith.cmpi slt, %add3A_129, %shift_right_arithmetic3A_100 : i32
            %convert_element_type3A_131 = arith.extui %lt3A_130 : i1 to i32
            %cond3A_132 = arith.constant 0 : i32
            %cond3A_133 = arith.cmpi ne, %convert_element_type3A_131, %cond3A_132 : i32
            scf.if %cond3A_133 {
              %add3A_172 = arith.constant 1 : i32
              %add3A_173 = arith.addi %add3A_115, %add3A_172 : i32
              %mul3A_174 = arith.constant 64 : i32
              %mul3A_175 = arith.muli %add3A_173, %mul3A_174 : i32
              %dma_start3A = tpu.memref_slice %arg13[%mul3A_175] : memref<1088xi32, #tpu.memory_space<vmem>> -> memref<64xi32, #tpu.memory_space<vmem>>
              %dma_start3A_176 = arith.constant 0 : i32
              %dma_start3A_177 = arith.constant 0 : i32
              %dma_start3A_178 = tpu.memref_slice %arg17[%dma_start3A_176, %dma_start3A_177] : memref<10000x128xf32, #tpu.memory_space<vmem_shared>> -> memref<10000x128xf32, #tpu.memory_space<vmem_shared>>
              tpu.enqueue_indirect_dma source(%dma_start3A_178 : memref<10000x128xf32, #tpu.memory_space<vmem_shared>>) target(%arg12 : memref<64x128xf32, #tpu.memory_space<vmem>>) offsets(%dma_start3A : memref<64xi32, #tpu.memory_space<vmem>>) semaphore(%arg20 : memref<!tpu.dma_semaphore, #tpu.memory_space<semaphore_mem>>)
            } else {
            }
            %mul3A_134 = arith.constant 64 : i32
            %mul3A_135 = arith.muli %add3A_115, %mul3A_134 : i32
            %dma_wait3A = tpu.memref_slice %arg13[%mul3A_135] : memref<1088xi32, #tpu.memory_space<vmem>> -> memref<64xi32, #tpu.memory_space<vmem>>
            %dma_wait3A_136 = arith.constant 0 : i32
            %dma_wait3A_137 = arith.constant 0 : i32
            %dma_wait3A_138 = tpu.memref_slice %arg17[%dma_wait3A_136, %dma_wait3A_137] : memref<10000x128xf32, #tpu.memory_space<vmem_shared>> -> memref<10000x128xf32, #tpu.memory_space<vmem_shared>>
            tpu.wait_indirect_dma semaphore(%arg19 : memref<!tpu.dma_semaphore, #tpu.memory_space<semaphore_mem>>) src(%dma_wait3A_138 : memref<10000x128xf32, #tpu.memory_space<vmem_shared>>) dst(%arg11 : memref<64x128xf32, #tpu.memory_space<vmem>>)
            %parallel_loop3A = arith.constant 0 : i32
            %parallel_loop3A_139 = arith.constant 64 : i32
            %parallel_loop3A_140 = arith.constant 1 : i32
            scf.for %parallel_loop3A_172 = %parallel_loop3A to %parallel_loop3A_139 step %parallel_loop3A_140  : i32 {
              %parallel_loop3A_173 = arith.constant 64 : i32
              %parallel_loop3A_174 = arith.muli %add3A_115, %parallel_loop3A_173 : i32
              %parallel_loop3A_175 = arith.addi %parallel_loop3A_174, %parallel_loop3A_172 : i32
              %parallel_loop3A_176 = vector.broadcast %parallel_loop3A_175 : i32 to vector<16xi32>
              %parallel_loop3A_177 = tpu.vector_load_idx %arg15[%parallel_loop3A_176] : memref<1088xf32, #tpu.memory_space<vmem>>[vector<16xi32>], vector<16xf32>,
              %parallel_loop3A_178 = arith.index_cast %parallel_loop3A_172 : i32 to index
              %parallel_loop3A_179 = arith.constant 0 : index
              %parallel_loop3A_180 = tpu.vector_load %arg11[%parallel_loop3A_178, %parallel_loop3A_179] {strides = array<i32>} : memref<64x128xf32, #tpu.memory_space<vmem>>, vector<16xf32>,
              %parallel_loop3A_181 = arith.mulf %parallel_loop3A_180, %parallel_loop3A_177 : vector<16xf32>
              %parallel_loop3A_182 = arith.index_cast %parallel_loop3A_172 : i32 to index
              %parallel_loop3A_183 = arith.constant 0 : index
              %parallel_loop3A_184 = tpu.vector_load %arg11[%parallel_loop3A_182, %parallel_loop3A_183] {strides = array<i32>} : memref<64x128xf32, #tpu.memory_space<vmem>>, vector<16xf32>,
              tpu.vector_store %arg11[%parallel_loop3A_182, %parallel_loop3A_183], %parallel_loop3A_181 {strides = array<i32>} : memref<64x128xf32, #tpu.memory_space<vmem>>, vector<16xf32>,
              %parallel_loop3A_185 = arith.index_cast %parallel_loop3A_172 : i32 to index
              %parallel_loop3A_186 = arith.constant 16 : index
              %parallel_loop3A_187 = tpu.vector_load %arg11[%parallel_loop3A_185, %parallel_loop3A_186] {strides = array<i32>} : memref<64x128xf32, #tpu.memory_space<vmem>>, vector<16xf32>,
              %parallel_loop3A_188 = arith.mulf %parallel_loop3A_187, %parallel_loop3A_177 : vector<16xf32>
              %parallel_loop3A_189 = arith.index_cast %parallel_loop3A_172 : i32 to index
              %parallel_loop3A_190 = arith.constant 16 : index
              %parallel_loop3A_191 = tpu.vector_load %arg11[%parallel_loop3A_189, %parallel_loop3A_190] {strides = array<i32>} : memref<64x128xf32, #tpu.memory_space<vmem>>, vector<16xf32>,
              tpu.vector_store %arg11[%parallel_loop3A_189, %parallel_loop3A_190], %parallel_loop3A_188 {strides = array<i32>} : memref<64x128xf32, #tpu.memory_space<vmem>>, vector<16xf32>,
              %parallel_loop3A_192 = arith.index_cast %parallel_loop3A_172 : i32 to index
              %parallel_loop3A_193 = arith.constant 32 : index
              %parallel_loop3A_194 = tpu.vector_load %arg11[%parallel_loop3A_192, %parallel_loop3A_193] {strides = array<i32>} : memref<64x128xf32, #tpu.memory_space<vmem>>, vector<16xf32>,
              %parallel_loop3A_195 = arith.mulf %parallel_loop3A_194, %parallel_loop3A_177 : vector<16xf32>
              %parallel_loop3A_196 = arith.index_cast %parallel_loop3A_172 : i32 to index
              %parallel_loop3A_197 = arith.constant 32 : index
              %parallel_loop3A_198 = tpu.vector_load %arg11[%parallel_loop3A_196, %parallel_loop3A_197] {strides = array<i32>} : memref<64x128xf32, #tpu.memory_space<vmem>>, vector<16xf32>,
              tpu.vector_store %arg11[%parallel_loop3A_196, %parallel_loop3A_197], %parallel_loop3A_195 {strides = array<i32>} : memref<64x128xf32, #tpu.memory_space<vmem>>, vector<16xf32>,
              %parallel_loop3A_199 = arith.index_cast %parallel_loop3A_172 : i32 to index
              %parallel_loop3A_200 = arith.constant 48 : index
              %parallel_loop3A_201 = tpu.vector_load %arg11[%parallel_loop3A_199, %parallel_loop3A_200] {strides = array<i32>} : memref<64x128xf32, #tpu.memory_space<vmem>>, vector<16xf32>,
              %parallel_loop3A_202 = arith.mulf %parallel_loop3A_201, %parallel_loop3A_177 : vector<16xf32>
              %parallel_loop3A_203 = arith.index_cast %parallel_loop3A_172 : i32 to index
              %parallel_loop3A_204 = arith.constant 48 : index
              %parallel_loop3A_205 = tpu.vector_load %arg11[%parallel_loop3A_203, %parallel_loop3A_204] {strides = array<i32>} : memref<64x128xf32, #tpu.memory_space<vmem>>, vector<16xf32>,
              tpu.vector_store %arg11[%parallel_loop3A_203, %parallel_loop3A_204], %parallel_loop3A_202 {strides = array<i32>} : memref<64x128xf32, #tpu.memory_space<vmem>>, vector<16xf32>,
              %parallel_loop3A_206 = arith.index_cast %parallel_loop3A_172 : i32 to index
              %parallel_loop3A_207 = arith.constant 64 : index
              %parallel_loop3A_208 = tpu.vector_load %arg11[%parallel_loop3A_206, %parallel_loop3A_207] {strides = array<i32>} : memref<64x128xf32, #tpu.memory_space<vmem>>, vector<16xf32>,
              %parallel_loop3A_209 = arith.mulf %parallel_loop3A_208, %parallel_loop3A_177 : vector<16xf32>
              %parallel_loop3A_210 = arith.index_cast %parallel_loop3A_172 : i32 to index
              %parallel_loop3A_211 = arith.constant 64 : index
              %parallel_loop3A_212 = tpu.vector_load %arg11[%parallel_loop3A_210, %parallel_loop3A_211] {strides = array<i32>} : memref<64x128xf32, #tpu.memory_space<vmem>>, vector<16xf32>,
              tpu.vector_store %arg11[%parallel_loop3A_210, %parallel_loop3A_211], %parallel_loop3A_209 {strides = array<i32>} : memref<64x128xf32, #tpu.memory_space<vmem>>, vector<16xf32>,
              %parallel_loop3A_213 = arith.index_cast %parallel_loop3A_172 : i32 to index
              %parallel_loop3A_214 = arith.constant 80 : index
              %parallel_loop3A_215 = tpu.vector_load %arg11[%parallel_loop3A_213, %parallel_loop3A_214] {strides = array<i32>} : memref<64x128xf32, #tpu.memory_space<vmem>>, vector<16xf32>,
              %parallel_loop3A_216 = arith.mulf %parallel_loop3A_215, %parallel_loop3A_177 : vector<16xf32>
              %parallel_loop3A_217 = arith.index_cast %parallel_loop3A_172 : i32 to index
              %parallel_loop3A_218 = arith.constant 80 : index
              %parallel_loop3A_219 = tpu.vector_load %arg11[%parallel_loop3A_217, %parallel_loop3A_218] {strides = array<i32>} : memref<64x128xf32, #tpu.memory_space<vmem>>, vector<16xf32>,
              tpu.vector_store %arg11[%parallel_loop3A_217, %parallel_loop3A_218], %parallel_loop3A_216 {strides = array<i32>} : memref<64x128xf32, #tpu.memory_space<vmem>>, vector<16xf32>,
              %parallel_loop3A_220 = arith.index_cast %parallel_loop3A_172 : i32 to index
              %parallel_loop3A_221 = arith.constant 96 : index
              %parallel_loop3A_222 = tpu.vector_load %arg11[%parallel_loop3A_220, %parallel_loop3A_221] {strides = array<i32>} : memref<64x128xf32, #tpu.memory_space<vmem>>, vector<16xf32>,
              %parallel_loop3A_223 = arith.mulf %parallel_loop3A_222, %parallel_loop3A_177 : vector<16xf32>
              %parallel_loop3A_224 = arith.index_cast %parallel_loop3A_172 : i32 to index
              %parallel_loop3A_225 = arith.constant 96 : index
              %parallel_loop3A_226 = tpu.vector_load %arg11[%parallel_loop3A_224, %parallel_loop3A_225] {strides = array<i32>} : memref<64x128xf32, #tpu.memory_space<vmem>>, vector<16xf32>,
              tpu.vector_store %arg11[%parallel_loop3A_224, %parallel_loop3A_225], %parallel_loop3A_223 {strides = array<i32>} : memref<64x128xf32, #tpu.memory_space<vmem>>, vector<16xf32>,
              %parallel_loop3A_227 = arith.index_cast %parallel_loop3A_172 : i32 to index
              %parallel_loop3A_228 = arith.constant 112 : index
              %parallel_loop3A_229 = tpu.vector_load %arg11[%parallel_loop3A_227, %parallel_loop3A_228] {strides = array<i32>} : memref<64x128xf32, #tpu.memory_space<vmem>>, vector<16xf32>,
              %parallel_loop3A_230 = arith.mulf %parallel_loop3A_229, %parallel_loop3A_177 : vector<16xf32>
              %parallel_loop3A_231 = arith.index_cast %parallel_loop3A_172 : i32 to index
              %parallel_loop3A_232 = arith.constant 112 : index
              %parallel_loop3A_233 = tpu.vector_load %arg11[%parallel_loop3A_231, %parallel_loop3A_232] {strides = array<i32>} : memref<64x128xf32, #tpu.memory_space<vmem>>, vector<16xf32>,
              tpu.vector_store %arg11[%parallel_loop3A_231, %parallel_loop3A_232], %parallel_loop3A_230 {strides = array<i32>} : memref<64x128xf32, #tpu.memory_space<vmem>>, vector<16xf32>,
            } {sc.loop_unroll_factor = 4 : i64, sc.parallel_access}
            %mul3A_141 = arith.constant 64 : i32
            %mul3A_142 = arith.muli %add3A_115, %mul3A_141 : i32
            %add3A_143 = arith.constant 0 : i32
            %add3A_144 = arith.addi %mul3A_142, %add3A_143 : i32
            %get3A = arith.index_cast %add3A_144 : i32 to index
            %get3A_145 = tpu.vector_load %arg14[%get3A] {strides = array<i32>} : memref<1088xi32, #tpu.memory_space<vmem>>, vector<16xi32>,
            %swap3A_146 = arith.constant 0 : index
            %swap3A_147 = tpu.vector_load %arg16[%swap3A_146] {strides = array<i32>} : memref<64xi32, #tpu.memory_space<vmem>>, vector<16xi32>,
            tpu.vector_store %arg16[%swap3A_146], %get3A_145 {strides = array<i32>} : memref<64xi32, #tpu.memory_space<vmem>>, vector<16xi32>,
            %mul3A_148 = arith.constant 64 : i32
            %mul3A_149 = arith.muli %add3A_115, %mul3A_148 : i32
            %add3A_150 = arith.constant 16 : i32
            %add3A_151 = arith.addi %mul3A_149, %add3A_150 : i32
            %get3A_152 = arith.index_cast %add3A_151 : i32 to index
            %get3A_153 = tpu.vector_load %arg14[%get3A_152] {strides = array<i32>} : memref<1088xi32, #tpu.memory_space<vmem>>, vector<16xi32>,
            %swap3A_154 = arith.constant 16 : index
            %swap3A_155 = tpu.vector_load %arg16[%swap3A_154] {strides = array<i32>} : memref<64xi32, #tpu.memory_space<vmem>>, vector<16xi32>,
            tpu.vector_store %arg16[%swap3A_154], %get3A_153 {strides = array<i32>} : memref<64xi32, #tpu.memory_space<vmem>>, vector<16xi32>,
            %mul3A_156 = arith.constant 64 : i32
            %mul3A_157 = arith.muli %add3A_115, %mul3A_156 : i32
            %add3A_158 = arith.constant 32 : i32
            %add3A_159 = arith.addi %mul3A_157, %add3A_158 : i32
            %get3A_160 = arith.index_cast %add3A_159 : i32 to index
            %get3A_161 = tpu.vector_load %arg14[%get3A_160] {strides = array<i32>} : memref<1088xi32, #tpu.memory_space<vmem>>, vector<16xi32>,
            %swap3A_162 = arith.constant 32 : index
            %swap3A_163 = tpu.vector_load %arg16[%swap3A_162] {strides = array<i32>} : memref<64xi32, #tpu.memory_space<vmem>>, vector<16xi32>,
            tpu.vector_store %arg16[%swap3A_162], %get3A_161 {strides = array<i32>} : memref<64xi32, #tpu.memory_space<vmem>>, vector<16xi32>,
            %mul3A_164 = arith.constant 64 : i32
            %mul3A_165 = arith.muli %add3A_115, %mul3A_164 : i32
            %add3A_166 = arith.constant 48 : i32
            %add3A_167 = arith.addi %mul3A_165, %add3A_166 : i32
            %get3A_168 = arith.index_cast %add3A_167 : i32 to index
            %get3A_169 = tpu.vector_load %arg14[%get3A_168] {strides = array<i32>} : memref<1088xi32, #tpu.memory_space<vmem>>, vector<16xi32>,
            %swap3A_170 = arith.constant 48 : index
            %swap3A_171 = tpu.vector_load %arg16[%swap3A_170] {strides = array<i32>} : memref<64xi32, #tpu.memory_space<vmem>>, vector<16xi32>,
            tpu.vector_store %arg16[%swap3A_170], %get3A_169 {strides = array<i32>} : memref<64xi32, #tpu.memory_space<vmem>>, vector<16xi32>,
            "tpu.region"() ({
              %run_scoped3A = tpu.sem_alloc : memref<!tpu.dma_semaphore, #tpu.memory_space<semaphore_mem>>
              %dma_start3A = arith.constant 0 : i32
              %dma_start3A_172 = arith.constant 0 : i32
              %dma_start3A_173 = tpu.memref_slice %arg18[%dma_start3A, %dma_start3A_172] : memref<3456x128xf32, #tpu.memory_space<vmem_shared>> -> memref<3456x128xf32, #tpu.memory_space<vmem_shared>>
              tpu.enqueue_indirect_dma source(%arg11 : memref<64x128xf32, #tpu.memory_space<vmem>>) target(%dma_start3A_173 : memref<3456x128xf32, #tpu.memory_space<vmem_shared>>) offsets(%arg16 : memref<64xi32, #tpu.memory_space<vmem>>) semaphore(%run_scoped3A : memref<!tpu.dma_semaphore, #tpu.memory_space<semaphore_mem>>) {add = true}
              %dma_wait3A_174 = arith.constant 0 : i32
              %dma_wait3A_175 = arith.constant 0 : i32
              %dma_wait3A_176 = tpu.memref_slice %arg18[%dma_wait3A_174, %dma_wait3A_175] : memref<3456x128xf32, #tpu.memory_space<vmem_shared>> -> memref<3456x128xf32, #tpu.memory_space<vmem_shared>>
              tpu.wait_indirect_dma semaphore(%run_scoped3A : memref<!tpu.dma_semaphore, #tpu.memory_space<semaphore_mem>>) src(%arg11 : memref<64x128xf32, #tpu.memory_space<vmem>>) dst(%dma_wait3A_176 : memref<3456x128xf32, #tpu.memory_space<vmem_shared>>)
              tpu.yield
            }) : () -> ()
          } else {
          }
          %mul3A_120 = arith.constant 2 : i32
          %mul3A_121 = arith.muli %mul3A_120, %scan3A_111 : i32
          %add3A_122 = arith.constant 1 : i32
          %add3A_123 = arith.addi %mul3A_121, %add3A_122 : i32
          %lt3A_124 = arith.cmpi slt, %add3A_123, %shift_right_arithmetic3A_100 : i32
          %convert_element_type3A_125 = arith.extui %lt3A_124 : i1 to i32
          %cond3A_126 = arith.constant 0 : i32
          %cond3A_127 = arith.cmpi ne, %convert_element_type3A_125, %cond3A_126 : i32
          scf.if %cond3A_127 {
            %add3A_128 = arith.constant 1 : i32
            %add3A_129 = arith.addi %add3A_123, %add3A_128 : i32
            %lt3A_130 = arith.cmpi slt, %add3A_129, %shift_right_arithmetic3A_100 : i32
            %convert_element_type3A_131 = arith.extui %lt3A_130 : i1 to i32
            %cond3A_132 = arith.constant 0 : i32
            %cond3A_133 = arith.cmpi ne, %convert_element_type3A_131, %cond3A_132 : i32
            scf.if %cond3A_133 {
              %add3A_172 = arith.constant 1 : i32
              %add3A_173 = arith.addi %add3A_123, %add3A_172 : i32
              %mul3A_174 = arith.constant 64 : i32
              %mul3A_175 = arith.muli %add3A_173, %mul3A_174 : i32
              %dma_start3A = tpu.memref_slice %arg13[%mul3A_175] : memref<1088xi32, #tpu.memory_space<vmem>> -> memref<64xi32, #tpu.memory_space<vmem>>
              %dma_start3A_176 = arith.constant 0 : i32
              %dma_start3A_177 = arith.constant 0 : i32
              %dma_start3A_178 = tpu.memref_slice %arg17[%dma_start3A_176, %dma_start3A_177] : memref<10000x128xf32, #tpu.memory_space<vmem_shared>> -> memref<10000x128xf32, #tpu.memory_space<vmem_shared>>
              tpu.enqueue_indirect_dma source(%dma_start3A_178 : memref<10000x128xf32, #tpu.memory_space<vmem_shared>>) target(%arg11 : memref<64x128xf32, #tpu.memory_space<vmem>>) offsets(%dma_start3A : memref<64xi32, #tpu.memory_space<vmem>>) semaphore(%arg19 : memref<!tpu.dma_semaphore, #tpu.memory_space<semaphore_mem>>)
            } else {
            }
            %mul3A_134 = arith.constant 64 : i32
            %mul3A_135 = arith.muli %add3A_123, %mul3A_134 : i32
            %dma_wait3A = tpu.memref_slice %arg13[%mul3A_135] : memref<1088xi32, #tpu.memory_space<vmem>> -> memref<64xi32, #tpu.memory_space<vmem>>
            %dma_wait3A_136 = arith.constant 0 : i32
            %dma_wait3A_137 = arith.constant 0 : i32
            %dma_wait3A_138 = tpu.memref_slice %arg17[%dma_wait3A_136, %dma_wait3A_137] : memref<10000x128xf32, #tpu.memory_space<vmem_shared>> -> memref<10000x128xf32, #tpu.memory_space<vmem_shared>>
            tpu.wait_indirect_dma semaphore(%arg20 : memref<!tpu.dma_semaphore, #tpu.memory_space<semaphore_mem>>) src(%dma_wait3A_138 : memref<10000x128xf32, #tpu.memory_space<vmem_shared>>) dst(%arg12 : memref<64x128xf32, #tpu.memory_space<vmem>>)
            %parallel_loop3A = arith.constant 0 : i32
            %parallel_loop3A_139 = arith.constant 64 : i32
            %parallel_loop3A_140 = arith.constant 1 : i32
            scf.for %parallel_loop3A_172 = %parallel_loop3A to %parallel_loop3A_139 step %parallel_loop3A_140  : i32 {
              %parallel_loop3A_173 = arith.constant 64 : i32
              %parallel_loop3A_174 = arith.muli %add3A_123, %parallel_loop3A_173 : i32
              %parallel_loop3A_175 = arith.addi %parallel_loop3A_174, %parallel_loop3A_172 : i32
              %parallel_loop3A_176 = vector.broadcast %parallel_loop3A_175 : i32 to vector<16xi32>
              %parallel_loop3A_177 = tpu.vector_load_idx %arg15[%parallel_loop3A_176] : memref<1088xf32, #tpu.memory_space<vmem>>[vector<16xi32>], vector<16xf32>,
              %parallel_loop3A_178 = arith.index_cast %parallel_loop3A_172 : i32 to index
              %parallel_loop3A_179 = arith.constant 0 : index
              %parallel_loop3A_180 = tpu.vector_load %arg12[%parallel_loop3A_178, %parallel_loop3A_179] {strides = array<i32>} : memref<64x128xf32, #tpu.memory_space<vmem>>, vector<16xf32>,
              %parallel_loop3A_181 = arith.mulf %parallel_loop3A_180, %parallel_loop3A_177 : vector<16xf32>
              %parallel_loop3A_182 = arith.index_cast %parallel_loop3A_172 : i32 to index
              %parallel_loop3A_183 = arith.constant 0 : index
              %parallel_loop3A_184 = tpu.vector_load %arg12[%parallel_loop3A_182, %parallel_loop3A_183] {strides = array<i32>} : memref<64x128xf32, #tpu.memory_space<vmem>>, vector<16xf32>,
              tpu.vector_store %arg12[%parallel_loop3A_182, %parallel_loop3A_183], %parallel_loop3A_181 {strides = array<i32>} : memref<64x128xf32, #tpu.memory_space<vmem>>, vector<16xf32>,
              %parallel_loop3A_185 = arith.index_cast %parallel_loop3A_172 : i32 to index
              %parallel_loop3A_186 = arith.constant 16 : index
              %parallel_loop3A_187 = tpu.vector_load %arg12[%parallel_loop3A_185, %parallel_loop3A_186] {strides = array<i32>} : memref<64x128xf32, #tpu.memory_space<vmem>>, vector<16xf32>,
              %parallel_loop3A_188 = arith.mulf %parallel_loop3A_187, %parallel_loop3A_177 : vector<16xf32>
              %parallel_loop3A_189 = arith.index_cast %parallel_loop3A_172 : i32 to index
              %parallel_loop3A_190 = arith.constant 16 : index
              %parallel_loop3A_191 = tpu.vector_load %arg12[%parallel_loop3A_189, %parallel_loop3A_190] {strides = array<i32>} : memref<64x128xf32, #tpu.memory_space<vmem>>, vector<16xf32>,
              tpu.vector_store %arg12[%parallel_loop3A_189, %parallel_loop3A_190], %parallel_loop3A_188 {strides = array<i32>} : memref<64x128xf32, #tpu.memory_space<vmem>>, vector<16xf32>,
              %parallel_loop3A_192 = arith.index_cast %parallel_loop3A_172 : i32 to index
              %parallel_loop3A_193 = arith.constant 32 : index
              %parallel_loop3A_194 = tpu.vector_load %arg12[%parallel_loop3A_192, %parallel_loop3A_193] {strides = array<i32>} : memref<64x128xf32, #tpu.memory_space<vmem>>, vector<16xf32>,
              %parallel_loop3A_195 = arith.mulf %parallel_loop3A_194, %parallel_loop3A_177 : vector<16xf32>
              %parallel_loop3A_196 = arith.index_cast %parallel_loop3A_172 : i32 to index
              %parallel_loop3A_197 = arith.constant 32 : index
              %parallel_loop3A_198 = tpu.vector_load %arg12[%parallel_loop3A_196, %parallel_loop3A_197] {strides = array<i32>} : memref<64x128xf32, #tpu.memory_space<vmem>>, vector<16xf32>,
              tpu.vector_store %arg12[%parallel_loop3A_196, %parallel_loop3A_197], %parallel_loop3A_195 {strides = array<i32>} : memref<64x128xf32, #tpu.memory_space<vmem>>, vector<16xf32>,
              %parallel_loop3A_199 = arith.index_cast %parallel_loop3A_172 : i32 to index
              %parallel_loop3A_200 = arith.constant 48 : index
              %parallel_loop3A_201 = tpu.vector_load %arg12[%parallel_loop3A_199, %parallel_loop3A_200] {strides = array<i32>} : memref<64x128xf32, #tpu.memory_space<vmem>>, vector<16xf32>,
              %parallel_loop3A_202 = arith.mulf %parallel_loop3A_201, %parallel_loop3A_177 : vector<16xf32>
              %parallel_loop3A_203 = arith.index_cast %parallel_loop3A_172 : i32 to index
              %parallel_loop3A_204 = arith.constant 48 : index
              %parallel_loop3A_205 = tpu.vector_load %arg12[%parallel_loop3A_203, %parallel_loop3A_204] {strides = array<i32>} : memref<64x128xf32, #tpu.memory_space<vmem>>, vector<16xf32>,
              tpu.vector_store %arg12[%parallel_loop3A_203, %parallel_loop3A_204], %parallel_loop3A_202 {strides = array<i32>} : memref<64x128xf32, #tpu.memory_space<vmem>>, vector<16xf32>,
              %parallel_loop3A_206 = arith.index_cast %parallel_loop3A_172 : i32 to index
              %parallel_loop3A_207 = arith.constant 64 : index
              %parallel_loop3A_208 = tpu.vector_load %arg12[%parallel_loop3A_206, %parallel_loop3A_207] {strides = array<i32>} : memref<64x128xf32, #tpu.memory_space<vmem>>, vector<16xf32>,
              %parallel_loop3A_209 = arith.mulf %parallel_loop3A_208, %parallel_loop3A_177 : vector<16xf32>
              %parallel_loop3A_210 = arith.index_cast %parallel_loop3A_172 : i32 to index
              %parallel_loop3A_211 = arith.constant 64 : index
              %parallel_loop3A_212 = tpu.vector_load %arg12[%parallel_loop3A_210, %parallel_loop3A_211] {strides = array<i32>} : memref<64x128xf32, #tpu.memory_space<vmem>>, vector<16xf32>,
              tpu.vector_store %arg12[%parallel_loop3A_210, %parallel_loop3A_211], %parallel_loop3A_209 {strides = array<i32>} : memref<64x128xf32, #tpu.memory_space<vmem>>, vector<16xf32>,
              %parallel_loop3A_213 = arith.index_cast %parallel_loop3A_172 : i32 to index
              %parallel_loop3A_214 = arith.constant 80 : index
              %parallel_loop3A_215 = tpu.vector_load %arg12[%parallel_loop3A_213, %parallel_loop3A_214] {strides = array<i32>} : memref<64x128xf32, #tpu.memory_space<vmem>>, vector<16xf32>,
              %parallel_loop3A_216 = arith.mulf %parallel_loop3A_215, %parallel_loop3A_177 : vector<16xf32>
              %parallel_loop3A_217 = arith.index_cast %parallel_loop3A_172 : i32 to index
              %parallel_loop3A_218 = arith.constant 80 : index
              %parallel_loop3A_219 = tpu.vector_load %arg12[%parallel_loop3A_217, %parallel_loop3A_218] {strides = array<i32>} : memref<64x128xf32, #tpu.memory_space<vmem>>, vector<16xf32>,
              tpu.vector_store %arg12[%parallel_loop3A_217, %parallel_loop3A_218], %parallel_loop3A_216 {strides = array<i32>} : memref<64x128xf32, #tpu.memory_space<vmem>>, vector<16xf32>,
              %parallel_loop3A_220 = arith.index_cast %parallel_loop3A_172 : i32 to index
              %parallel_loop3A_221 = arith.constant 96 : index
              %parallel_loop3A_222 = tpu.vector_load %arg12[%parallel_loop3A_220, %parallel_loop3A_221] {strides = array<i32>} : memref<64x128xf32, #tpu.memory_space<vmem>>, vector<16xf32>,
              %parallel_loop3A_223 = arith.mulf %parallel_loop3A_222, %parallel_loop3A_177 : vector<16xf32>
              %parallel_loop3A_224 = arith.index_cast %parallel_loop3A_172 : i32 to index
              %parallel_loop3A_225 = arith.constant 96 : index
              %parallel_loop3A_226 = tpu.vector_load %arg12[%parallel_loop3A_224, %parallel_loop3A_225] {strides = array<i32>} : memref<64x128xf32, #tpu.memory_space<vmem>>, vector<16xf32>,
              tpu.vector_store %arg12[%parallel_loop3A_224, %parallel_loop3A_225], %parallel_loop3A_223 {strides = array<i32>} : memref<64x128xf32, #tpu.memory_space<vmem>>, vector<16xf32>,
              %parallel_loop3A_227 = arith.index_cast %parallel_loop3A_172 : i32 to index
              %parallel_loop3A_228 = arith.constant 112 : index
              %parallel_loop3A_229 = tpu.vector_load %arg12[%parallel_loop3A_227, %parallel_loop3A_228] {strides = array<i32>} : memref<64x128xf32, #tpu.memory_space<vmem>>, vector<16xf32>,
              %parallel_loop3A_230 = arith.mulf %parallel_loop3A_229, %parallel_loop3A_177 : vector<16xf32>
              %parallel_loop3A_231 = arith.index_cast %parallel_loop3A_172 : i32 to index
              %parallel_loop3A_232 = arith.constant 112 : index
              %parallel_loop3A_233 = tpu.vector_load %arg12[%parallel_loop3A_231, %parallel_loop3A_232] {strides = array<i32>} : memref<64x128xf32, #tpu.memory_space<vmem>>, vector<16xf32>,
              tpu.vector_store %arg12[%parallel_loop3A_231, %parallel_loop3A_232], %parallel_loop3A_230 {strides = array<i32>} : memref<64x128xf32, #tpu.memory_space<vmem>>, vector<16xf32>,
            } {sc.loop_unroll_factor = 4 : i64, sc.parallel_access}
            %mul3A_141 = arith.constant 64 : i32
            %mul3A_142 = arith.muli %add3A_123, %mul3A_141 : i32
            %add3A_143 = arith.constant 0 : i32
            %add3A_144 = arith.addi %mul3A_142, %add3A_143 : i32
            %get3A = arith.index_cast %add3A_144 : i32 to index
            %get3A_145 = tpu.vector_load %arg14[%get3A] {strides = array<i32>} : memref<1088xi32, #tpu.memory_space<vmem>>, vector<16xi32>,
            %swap3A_146 = arith.constant 0 : index
            %swap3A_147 = tpu.vector_load %arg16[%swap3A_146] {strides = array<i32>} : memref<64xi32, #tpu.memory_space<vmem>>, vector<16xi32>,
            tpu.vector_store %arg16[%swap3A_146], %get3A_145 {strides = array<i32>} : memref<64xi32, #tpu.memory_space<vmem>>, vector<16xi32>,
            %mul3A_148 = arith.constant 64 : i32
            %mul3A_149 = arith.muli %add3A_123, %mul3A_148 : i32
            %add3A_150 = arith.constant 16 : i32
            %add3A_151 = arith.addi %mul3A_149, %add3A_150 : i32
            %get3A_152 = arith.index_cast %add3A_151 : i32 to index
            %get3A_153 = tpu.vector_load %arg14[%get3A_152] {strides = array<i32>} : memref<1088xi32, #tpu.memory_space<vmem>>, vector<16xi32>,
            %swap3A_154 = arith.constant 16 : index
            %swap3A_155 = tpu.vector_load %arg16[%swap3A_154] {strides = array<i32>} : memref<64xi32, #tpu.memory_space<vmem>>, vector<16xi32>,
            tpu.vector_store %arg16[%swap3A_154], %get3A_153 {strides = array<i32>} : memref<64xi32, #tpu.memory_space<vmem>>, vector<16xi32>,
            %mul3A_156 = arith.constant 64 : i32
            %mul3A_157 = arith.muli %add3A_123, %mul3A_156 : i32
            %add3A_158 = arith.constant 32 : i32
            %add3A_159 = arith.addi %mul3A_157, %add3A_158 : i32
            %get3A_160 = arith.index_cast %add3A_159 : i32 to index
            %get3A_161 = tpu.vector_load %arg14[%get3A_160] {strides = array<i32>} : memref<1088xi32, #tpu.memory_space<vmem>>, vector<16xi32>,
            %swap3A_162 = arith.constant 32 : index
            %swap3A_163 = tpu.vector_load %arg16[%swap3A_162] {strides = array<i32>} : memref<64xi32, #tpu.memory_space<vmem>>, vector<16xi32>,
            tpu.vector_store %arg16[%swap3A_162], %get3A_161 {strides = array<i32>} : memref<64xi32, #tpu.memory_space<vmem>>, vector<16xi32>,
            %mul3A_164 = arith.constant 64 : i32
            %mul3A_165 = arith.muli %add3A_123, %mul3A_164 : i32
            %add3A_166 = arith.constant 48 : i32
            %add3A_167 = arith.addi %mul3A_165, %add3A_166 : i32
            %get3A_168 = arith.index_cast %add3A_167 : i32 to index
            %get3A_169 = tpu.vector_load %arg14[%get3A_168] {strides = array<i32>} : memref<1088xi32, #tpu.memory_space<vmem>>, vector<16xi32>,
            %swap3A_170 = arith.constant 48 : index
            %swap3A_171 = tpu.vector_load %arg16[%swap3A_170] {strides = array<i32>} : memref<64xi32, #tpu.memory_space<vmem>>, vector<16xi32>,
            tpu.vector_store %arg16[%swap3A_170], %get3A_169 {strides = array<i32>} : memref<64xi32, #tpu.memory_space<vmem>>, vector<16xi32>,
            "tpu.region"() ({
              %run_scoped3A = tpu.sem_alloc : memref<!tpu.dma_semaphore, #tpu.memory_space<semaphore_mem>>
              %dma_start3A = arith.constant 0 : i32
              %dma_start3A_172 = arith.constant 0 : i32
              %dma_start3A_173 = tpu.memref_slice %arg18[%dma_start3A, %dma_start3A_172] : memref<3456x128xf32, #tpu.memory_space<vmem_shared>> -> memref<3456x128xf32, #tpu.memory_space<vmem_shared>>
              tpu.enqueue_indirect_dma source(%arg12 : memref<64x128xf32, #tpu.memory_space<vmem>>) target(%dma_start3A_173 : memref<3456x128xf32, #tpu.memory_space<vmem_shared>>) offsets(%arg16 : memref<64xi32, #tpu.memory_space<vmem>>) semaphore(%run_scoped3A : memref<!tpu.dma_semaphore, #tpu.memory_space<semaphore_mem>>) {add = true}
              %dma_wait3A_174 = arith.constant 0 : i32
              %dma_wait3A_175 = arith.constant 0 : i32
              %dma_wait3A_176 = tpu.memref_slice %arg18[%dma_wait3A_174, %dma_wait3A_175] : memref<3456x128xf32, #tpu.memory_space<vmem_shared>> -> memref<3456x128xf32, #tpu.memory_space<vmem_shared>>
              tpu.wait_indirect_dma semaphore(%run_scoped3A : memref<!tpu.dma_semaphore, #tpu.memory_space<semaphore_mem>>) src(%arg12 : memref<64x128xf32, #tpu.memory_space<vmem>>) dst(%dma_wait3A_176 : memref<3456x128xf32, #tpu.memory_space<vmem_shared>>)
              tpu.yield
            }) : () -> ()
          } else {
          }
        }
        %scan3A_110 = arith.constant 9 : i32
      }
      %scan3A_20 = arith.constant 20 : i32
      %barrier3A_21 = arith.constant 0 : index
      tpu.barrier barrier_id(%barrier3A_21)
      %mul3A_22 = arith.constant 216 : i32
      %mul3A_23 = arith.muli %arg1, %mul3A_22 : i32
      %mul3A_24 = arith.constant 10368 : i32
      %mul3A_25 = arith.muli %arg0, %mul3A_24 : i32
      %mul3A_26 = arith.constant 3456 : i32
      %mul3A_27 = arith.muli %scan3A_11, %mul3A_26 : i32
      %add3A = arith.addi %mul3A_25, %mul3A_27 : i32
      %mul3A_28 = arith.constant 216 : i32
      %mul3A_29 = arith.muli %arg1, %mul3A_28 : i32
      %add3A_30 = arith.addi %add3A, %mul3A_29 : i32
      "tpu.region"() ({
        %run_scoped3A = tpu.sem_alloc : memref<!tpu.dma_semaphore, #tpu.memory_space<semaphore_mem>>
        %dma_start3A = arith.constant 0 : i32
        %dma_start3A_32 = tpu.memref_slice %arg7[%add3A_30, %dma_start3A] : memref<20736x128xf32, #tpu.memory_space<hbm>> -> memref<216x128xf32, #tpu.memory_space<hbm>>
        %dma_start3A_33 = arith.constant 0 : i32
        %dma_start3A_34 = tpu.memref_slice %arg18[%mul3A_23, %dma_start3A_33] : memref<3456x128xf32, #tpu.memory_space<vmem_shared>> -> memref<216x128xf32, #tpu.memory_space<vmem_shared>>
        tpu.enqueue_dma source(%dma_start3A_34 : memref<216x128xf32, #tpu.memory_space<vmem_shared>>) target(%dma_start3A_32 : memref<216x128xf32, #tpu.memory_space<hbm>>) target_semaphore(%run_scoped3A : memref<!tpu.dma_semaphore, #tpu.memory_space<semaphore_mem>>)
        %dma_wait3A = arith.constant 0 : i32
        %dma_wait3A_35 = tpu.memref_slice %arg7[%add3A_30, %dma_wait3A] : memref<20736x128xf32, #tpu.memory_space<hbm>> -> memref<216x128xf32, #tpu.memory_space<hbm>>
        %dma_wait3A_36 = arith.constant 0 : i32
        %dma_wait3A_37 = tpu.memref_slice %arg18[%mul3A_23, %dma_wait3A_36] : memref<3456x128xf32, #tpu.memory_space<vmem_shared>> -> memref<216x128xf32, #tpu.memory_space<vmem_shared>>
        tpu.wait_dma2 semaphore(%run_scoped3A : memref<!tpu.dma_semaphore, #tpu.memory_space<semaphore_mem>>) src(%dma_wait3A_37 : memref<216x128xf32, #tpu.memory_space<vmem_shared>>) dst(%dma_wait3A_35 : memref<216x128xf32, #tpu.memory_space<hbm>>)
        tpu.yield
      }) : () -> ()
      %barrier3A_31 = arith.constant 0 : index
      tpu.barrier barrier_id(%barrier3A_31)
    }
    %scan3A_10 = arith.constant 3 : i32
    return
  }
}

module attributes {stable_mosaic.version = 14 : i64} {
  func.func @_mm_body(%arg0: i32, %arg1: memref<2000x128xf32, #tpu.memory_space<vmem>>, %arg2: memref<128x128xf32, #tpu.memory_space<vmem>>, %arg3: memref<2000x128xf32, #tpu.memory_space<vmem>>) attributes {dimension_semantics = [#tpu.dimension_semantics<arbitrary>], iteration_bounds = array<i64: 10>, scalar_prefetch = 0 : i64, scratch_operands = 0 : i64, tpu.core_type = #tpu.core_type<tc>, window_params = [{transform_indices = @transform_0, window_bounds = array<i64: 2000, 128>}, {pipeline_mode = #tpu.pipeline_mode<synchronous>, transform_indices = @transform_1, window_bounds = array<i64: 128, 128>}, {transform_indices = @transform_2, window_bounds = array<i64: 2000, 128>}]} {
    %get3A = arith.constant 0 : index
    %get3A_0 = arith.constant 0 : index
    %get3A_1 = vector.load %arg1[%get3A, %get3A_0] : memref<2000x128xf32, #tpu.memory_space<vmem>>, vector<2000x128xf32>
    %get3A_2 = arith.constant 0 : index
    %get3A_3 = arith.constant 0 : index
    %get3A_4 = vector.load %arg2[%get3A_2, %get3A_3] : memref<128x128xf32, #tpu.memory_space<vmem>>, vector<128x128xf32>
    %dot_general3A = arith.constant dense<0.000000e+00> : vector<2000x128xf32>
    %dot_general3A_5 = tpu.matmul %get3A_1, %get3A_4, %dot_general3A {dimension_numbers = #tpu.dot_dimension_numbers<[1], [0], [0], [1], [0, 0, 1, 1], [], []>, transpose_lhs_hint = false} : vector<2000x128xf32>, vector<128x128xf32>, vector<2000x128xf32> -> vector<2000x128xf32>
    %max3A = arith.constant 0.000000e+00 : f32
    %max3A_6 = vector.broadcast %max3A : f32 to vector<2000x128xf32>
    %max3A_7 = arith.maximumf %dot_general3A_5, %max3A_6 : vector<2000x128xf32>
    %swap3A = arith.constant 0 : index
    %swap3A_8 = arith.constant 0 : index
    %swap3A_9 = vector.load %arg3[%swap3A, %swap3A_8] : memref<2000x128xf32, #tpu.memory_space<vmem>>, vector<2000x128xf32>
    tpu.vector_store %arg3[%swap3A, %swap3A_8], %max3A_7 {strides = array<i32>} : memref<2000x128xf32, #tpu.memory_space<vmem>>, vector<2000x128xf32>,
    return
  }
  func.func @transform_0(%arg0: i32) -> (i32, i32) {
    %c0_i32 = arith.constant 0 : i32
    %c0_i32_0 = arith.constant 0 : i32
    return %arg0, %c0_i32 : i32, i32
  }
  func.func @transform_1(%arg0: i32) -> (i32, i32) {
    %c0_i32 = arith.constant 0 : i32
    %c0_i32_0 = arith.constant 0 : i32
    %c0_i32_1 = arith.constant 0 : i32
    return %c0_i32, %c0_i32_0 : i32, i32
  }
  func.func @transform_2(%arg0: i32) -> (i32, i32) {
    %c0_i32 = arith.constant 0 : i32
    %c0_i32_0 = arith.constant 0 : i32
    return %arg0, %c0_i32 : i32, i32
  }
}

</mosaic_0001>

<sc_bundles>
// kernel: kernel.4.cloned.1.call-start
scs
__scs_entry_jumppad:
0x0: {  	(pc) =	sbr.rel $0x88, $3  }
0x1: {  	(tag) =	ssettag $0x0;
	lr =	simm.s32 $0x1  }
0x2: {  	[smem:$0x3F9D] =	sst lr;
	_ =	strace $0xD0000000  }
0x3: {  	_ = 	snop  }
0x4: {  	_ = 	snop  }
0x5: {  	_ = 	snop  }
0x6: {  	_ = 	snop  }
0x7: {  	_ = 	snop  }
__scs_overlays_trampoline_lowered:
0x8: {  	[smem:$0x3FAC] =	sst s0  }
0x9: {  	[smem:$0x3FAD] =	sst s1  }
0xa: {  	[smem:$0x3FAE] =	sst s2  }
0xb: {  	[smem:$0x3FAF] =	sst s3  }
0xc: {  	[smem:$0x3FB0] =	sst s4  }
0xd: {  	[smem:$0x3FB1] =	sst s5  }
0xe: {  	[smem:$0x3FB2] =	sst s6  }
0xf: {  	[smem:$0x3FB3] =	sst s7  }
0x10: {  	[smem:$0x3FB4] =	sst s8  }
0x11: {  	[smem:$0x3FB5] =	sst s9;
	s0 =	simm.s32 @!p0 $0x0  }
0x12: {  	s1 =	sld [smem:$0x3F9B];
	s0 =	simm.s32 @p0 $0x1  }
0x13: {  	[smem:$0x3FB6] =	sst s0;
	s0 =	simm.s32 @!p1 $0x0  }
0x14: {  	s2 =	sld [smem:$0x3F9A];
	s0 =	simm.s32 @p1 $0x1  }
0x15: {  	[smem:$0x3FB7] =	sst s0;
	s0 =	simm.s32 @!p2 $0x0  }
0x16: {  	s3 =	sld [smem:$0x3FDB];
	s0 =	simm.s32 @p2 $0x1  }
0x17: {  	s4 =	simm.s32 $0x1BF5;
	[smem:$0x3FB9] =	sst s0  }
0x18: {  	s0 =	sld [smem:$0x3F9C];
	_ =	swait.ge [sflag:s4], $0x0  }
0x19: {  	s7 =	sld [smem:$0x3F9D]  }
0x1a: {  	s8 =	sadd.s32 $0xFFFFE003, lr  }
0x1b: {  	s9 =	sadd.s32 $0xFFFFFEF7, lr;
	s5 =	simm.s32 $0xFFFFFFFF;
	p2 =	slt.u32 s8, $0xFFFFF086  }
0x1c: {  	p1 =	slt.u32 s9, $0xF7A;
	s5 =	simm.s32 @!p2 $0x0  }
0x1d: {  	s5 =	simm.s32 @p1 $0x1;
	p0 =	seq.s32 s7, s2  }
0x1e: {  	s7 =	smul.u32 @!p0 $0xF7A, s2;
	p2 =	seq.s32 @!p0 s5, $0x0  }
0x1f: {  	s9 =	smul.u32 $0xF7A, s1;
	s8 =	simm.s32 @!p0 $0x1BF5;
	p2 =	por !p2, p0  }
0x20: {  	[sflag:s8] =	ssyncset.s32 @!p0 $0xFFFFF086;
	s6 =	sadd.s32 @!p0 s3, s7;
	s7 =	simm.s32 @!p0 $0x108  }
0x21: {  	s3 =	sadd.s32 s3, s9;
	s6 =	sadd.s32 @!p0 $0x88, s6;
	s7 =	simm.s32 @p2 $0x1082  }
0x22: {  	[simem:s7], [sflag:s8] =	dma.local @!p0 [hbm:s6], $0xF7A  }
0x23: {  	s9 =	sor.u32 $0xD0000000, s2;
	s6 =	simm.s32 $0x108;
	_ =	swait.ge @!p0 [sflag:s8], $0x0  }
0x24: {  	s3 =	sadd.s32 $0x88, s3;
	s6 =	simm.s32 @!p1 $0x1082;
	[sflag:s4] =	ssyncset.s32 $0xFFFFF086  }
0x25: {  	[simem:s6], [sflag:s4] =	dma.local [hbm:s3], $0xF7A  }
0x26: {  	[smem:$0x3F9D] =	sst s1;
	(tag) =	ssettag s2;
	_ =	strace s9  }
0x27: {  	s1 =	sld [smem:$0x3FAD]  }
0x28: {  	s2 =	sld [smem:$0x3FAE]  }
0x29: {  	s4 =	sld [smem:$0x3FB0]  }
0x2a: {  	p0 =	seq.s32 s5, $0x0;
	s5 =	sld [smem:$0x3FB1]  }
0x2b: {  	s6 =	sld [smem:$0x3FB2]  }
0x2c: {  	s7 =	sld [smem:$0x3FB3]  }
0x2d: {  	s3 =	simm.s32 $0x108;
	s8 =	sld [smem:$0x3FB4]  }
0x2e: {  	s3 =	simm.s32 @!p0 $0x1082;
	s9 =	sld [smem:$0x3FB5]  }
0x2f: {  	lr =	sadd.s32 s0, s3;
	s0 =	sld [smem:$0x3FAC]  }
0x30: {  	s3 =	sld [smem:$0x3FAF]  }
0x31: {  	[smem:$0x3FB8] =	sst s10  }
0x32: {  	s10 =	sld [smem:$0x3FB6];
	_ =	sdelay $0x3  }
0x33: {  	p0 =	seq.s32 s10, $0x1;
	s10 =	sld [smem:$0x3FB8];
	_ =	sdelay $0x3  }
0x34: {  	[smem:$0x3FB8] =	sst s10  }
0x35: {  	s10 =	sld [smem:$0x3FB7];
	_ =	sdelay $0x3  }
0x36: {  	p1 =	seq.s32 s10, $0x1;
	s10 =	sld [smem:$0x3FB8];
	_ =	sdelay $0x3  }
0x37: {  	[smem:$0x3FB8] =	sst s10  }
0x38: {  	s10 =	sld [smem:$0x3FB9]  }
0x39: {  	_ = 	snop;
	(pc) =	sbr.ind lr, $3  }
0x3a: {  	_ = 	snop  }
0x3b: {  	_ = 	snop  }
0x3c: {  	p2 =	seq.s32 s10, $0x1;
	s10 =	sld [smem:$0x3FB8]  }
0x3d: {  	_ =	shalt  }
0x3e: {  	_ =	shalt  }
0x3f: {  	_ =	shalt  }
0x40: {  	_ =	shalt  }
0x41: {  	_ =	shalt  }
0x42: {  	_ =	shalt  }
0x43: {  	_ =	shalt  }
0x44: {  	_ =	shalt  }
0x45: {  	_ =	shalt  }
0x46: {  	_ =	shalt  }
0x47: {  	_ =	shalt  }
0x48: {  	_ =	shalt  }
0x49: {  	_ =	shalt  }
0x4a: {  	_ =	shalt  }
0x4b: {  	_ =	shalt  }
0x4c: {  	_ =	shalt  }
0x4d: {  	_ =	shalt  }
0x4e: {  	_ =	shalt  }
0x4f: {  	_ =	shalt  }
0x50: {  	_ =	shalt  }
0x51: {  	_ =	shalt  }
0x52: {  	_ =	shalt  }
0x53: {  	_ =	shalt  }
0x54: {  	_ =	shalt  }
0x55: {  	_ =	shalt  }
0x56: {  	_ =	shalt  }
0x57: {  	_ =	shalt  }
0x58: {  	_ =	shalt  }
0x59: {  	_ =	shalt  }
0x5a: {  	_ =	shalt  }
0x5b: {  	_ =	shalt  }
0x5c: {  	_ =	shalt  }
0x5d: {  	_ =	shalt  }
0x5e: {  	_ =	shalt  }
0x5f: {  	_ =	shalt  }
0x60: {  	_ =	shalt  }
0x61: {  	_ =	shalt  }
0x62: {  	_ =	shalt  }
0x63: {  	_ =	shalt  }
0x64: {  	_ =	shalt  }
0x65: {  	_ =	shalt  }
0x66: {  	_ =	shalt  }
0x67: {  	_ =	shalt  }
0x68: {  	_ =	shalt  }
0x69: {  	_ =	shalt  }
0x6a: {  	_ =	shalt  }
0x6b: {  	_ =	shalt  }
0x6c: {  	_ =	shalt  }
0x6d: {  	_ =	shalt  }
0x6e: {  	_ =	shalt  }
0x6f: {  	_ =	shalt  }
0x70: {  	_ =	shalt  }
0x71: {  	_ =	shalt  }
0x72: {  	_ =	shalt  }
0x73: {  	_ =	shalt  }
0x74: {  	_ =	shalt  }
0x75: {  	_ =	shalt  }
0x76: {  	_ =	shalt  }
0x77: {  	_ =	shalt  }
0x78: {  	_ =	shalt  }
0x79: {  	_ =	shalt  }
0x7a: {  	_ =	shalt  }
0x7b: {  	_ =	shalt  }
0x7c: {  	_ =	shalt  }
0x7d: {  	_ =	shalt  }
0x7e: {  	_ =	shalt  }
0x7f: {  	_ =	shalt  }
0x80: {  	_ =	shalt  }
0x81: {  	_ =	shalt  }
0x82: {  	_ =	shalt  }
0x83: {  	_ =	shalt  }
0x84: {  	_ =	shalt  }
0x85: {  	_ =	shalt  }
0x86: {  	_ =	shalt  }
0x87: {  	_ =	shalt  }
.Lfunc_end0:
.L_simem_size_0:
called_computation_lowered:
.L_overlay_start_0:
0x88: {  	s2 =	sld [smem:$0x3FD9]  }
0x89: {  	s3 =	sld [smem:$0x3FFE];
	_ =	sdelay $0x1  }
0x8a: {  	s1 =	srdreg.scid  }
0x8b: {  	s0 =	sand.u32 $0x1, s1  }
0x8c: {  	s17 =	sshll.u32 s0, $0xA;
	s2 =	sadd.s32 s3, s2  }
0x8d: {  	s2 =	sadd.s32 s2, s17  }
0x8e: {  	[smem:$0x3FC4] =	sst s2  }
0x8f: {  	_ = 	snop  }
0x90: {  	s2 =	sld [smem:$0x3FC9]  }
0x91: {  	s18 =	sld [smem:$0x3FD0];
	(tm) =	ssettm $0x1  }
0x92: {  	s4 =	sld [smem:$0x3FFB];
	_ =	sdelay $0x3  }
0x93: {  	_ =	strace s4  }
0x94: {  	s4 =	sld [smem:$0x3FFC];
	_ =	sdelay $0x3  }
0x95: {  	_ =	strace s4  }
0x96: {  	s4 =	sld [smem:$0x3FFD];
	_ =	sdelay $0x3  }
0x97: {  	_ =	strace s4  }
0x98: {  	_ =	strace $0x8FFFFFFF  }
0x99: {  	s19 =	sld [smem:$0x3FDB];
	_ =	sdelay $0x1  }
0x9a: {  	s5 =	simm.s32 $_scs_section_size  }
0x9b: {  	s6 =	simm.s32 $_size__tile_overlayer_lowered;
	s7 =	simm.s32 $_tile_overlayer_lowered  }
0x9c: {  	s22 =	simm.s32 $0x1BFF;
	s21 =	sshll.u32 s7, $0x1;
	s4 =	sadd.s32 s5, s19  }
0x9d: {  	s8 =	simm.s32 $0x0;
	s20 =	sshll.u32 s6, $0x1;
	s6 =	sadd.s32 s21, s4  }
0x9e: {  	[timem:s8], [sflag:s22] =	dma.local [hbm:s6], s20  }
0x9f: {  	_ =	swait.ge [sflag:s22], s20  }
0xa0: {  	s5 =	ssub.s32 $0x0, s20;
	[sflag:s22] =	ssyncset.done $0x0  }
0xa1: {  	[sflag:s22] =	ssyncadd.s32 s5;
	_ =	sdelay $0x1  }
0xa2: {  	s23 =	simm.s32 $0x1B8B  }
0xa3: {  	_ =	swait.ge [sflag:s23], $0x1  }
0xa4: {  	[sflag:s23] =	ssyncset.done $0x0  }
0xa5: {  	s25 =	simm.s32 $0x1B8E;
	s24 =	sld [smem:$0x3FFE];
	[sflag:s23] =	ssyncadd.s32 $0xFFFFFFFF  }
0xa6: {  	s26 =	simm.s32 $execute0_lowered;
	[smem:$0x3FD2] =	sst s25  }
0xa7: {  	s6 =	sshll.u32 s26, $0x1;
	_ =	strace $0x80000046;
	[dreg:$0x1] =	wrdreg $0xFFFFFFFF  }
0xa8: {  	s28 =	simm.s32 $_size_execute0_lowered;
	s4 =	sadd.s32 s4, s6;
	[dreg:$0x0] =	wrdreg $0x0  }
0xa9: {  	s6 =	sshll.u32 s28, $0x1;
	[dreg:$0x2] =	wrdreg s4  }
0xaa: {  	[dreg:$0x3] =	wrdreg s6  }
0xab: {  	[dreg:$0x4] =	wrdreg $0xC0  }
0xac: {  	_ =	task [dreg:s8], $0x5FFFF  }
0xad: {  	[dreg:$0x1] =	wrdreg $0xFFFFFFFF  }
0xae: {  	[dreg:$0x0] =	wrdreg $0x60  }
0xaf: {  	[dreg:$0x2] =	wrdreg s2  }
0xb0: {  	[dreg:$0x3] =	wrdreg s24  }
0xb1: {  	[dreg:$0x4] =	wrdreg s18  }
0xb2: {  	[dreg:$0x5] =	wrdreg $0x5A000  }
0xb3: {  	[dreg:$0x6] =	wrdreg $0x192800  }
0xb4: {  	[dreg:$0x7] =	wrdreg $0x9  }
0xb5: {  	_ =	task.clear_ibuf [dreg:s8], $0x8FFFF;
	_ =	strace $0x90000046  }
0xb6: {  	s29 =	simm.s32 $0x9;
	_ =	strace $0x80000048  }
0xb7: {  	_ =	swait.ge [sflag:s29], $0x1  }
0xb8: {  	[sflag:s29] =	ssyncadd.s32 $0xFFFFFFFF  }
0xb9: {  	_ =	strace $0x90000048  }
0xba: {  	_ =	sfence  }
0xbb: {  	s30 =	sld [smem:$0x0];
	_ =	sdelay $0x2  }
0xbc: {  	s31 =	sshll.u32 s1, $0xD;
	s1 =	sshrl.u32 s1, $0x2  }
0xbd: {  	s3 =	sand.u32 $0x4000, s31;
	s1 =	sadd.s32 s1, s30  }
0xbe: {  	s0 =	sor.u32 s3, s0;
	s1 =	sshll.u32 s1, $0x11  }
0xbf: {  	s0 =	sor.u32 s1, s0  }
0xc0: {  	s0 =	sadd.s32 $0x8F2B, s0  }
0xc1: {  	[sflag:s0] =	ssyncadd.remote.s32 $0x1  }
0xc2: {  	_ =	sfence.sel $0xFFFF  }
0xc3: {  	[dreg:$0x0] =	wrdreg $0xFFFFFFFF;
	(pc) =	sbr.abs _section_cstart, $3  }
0xc4: {  	[dreg:$0x1] =	wrdreg $0xFFFFFFFF  }
0xc5: {  	_ =	task.clear_ibuf [dreg:s8], $0x2FFFF;
	_ =	strace $0x9FFFFFFF  }
0xc6: {  	(tm) =	ssettm $0x7FFFFFFF  }
0xc7: {  	_ =	shalt  }
tec
execute0_lowered:
.L_overlay_start_1:
0x0: {  	(tag) =	ssettag $0x1  }
0x1: {  	s0 =	rddreg [dreg:$0x0]  }
0x2: {  	s4 =	rddreg [dreg:$0x1]  }
0x3: {  	s1 =	rddreg [dreg:$0x2]  }
0x4: {  	s2 =	rddreg [dreg:$0x3]  }
0x5: {  	s3 =	rddreg [dreg:$0x4]  }
0x6: {  	s13 =	simm.s32 $0x0;
	s5 =	srdreg.scid;
	s14 =	stileid.u32  }
0x7: {  	s28 =	simm.s32 $0x4;
	s29 =	simm.s32 $0x2;
	s8 =	smul.u32 $0x4F000, s14  }
0x8: {  	s30 =	simm.s32 $0x2C00;
	[smem:$0x7FF] =	sst s13;
	s11 =	smul.u32 $0x2780, s14  }
0x9: {  	s6 =	sadd.s32 $0xA200, s4;
	s7 =	sadd.s32 $0x200, s4;
	s23 =	smul.u32 $0x1B000, s14  }
0xa: {  	s5 =	sand.u32 $0x1, s5;
	s9 =	sadd.s32 $0x14200, s4;
	s24 =	smul.u32 $0xD8, s14  }
0xb: {  	s4 =	sadd.s32 $0x15000, s4;
	s12 =	smul.u32 $0xA00, s14;
	p0 =	seq.s32 s14, $0xF  }
0xc: {  	s31 =	sshll.u32 s14, $0x6;
	_ =	strace $0x80000047;
	s10 =	smul.u32 $0x27100, s5  }
0xd: {  	[dreg:$0x7] =	wrdreg s9;
	s20 =	ssub.s32 $0x2, s5;
	s22 =	smul.u32 $0x138800, s5  }
0xe: {  	[dreg:$0x8] =	wrdreg s4;
	s5 =	smul.u32 $0x2880, s5;
	s21 =	sshrl.u32 s20, $0x1  }
0xf: {  	s8 =	sshrl.u32 s8, $0x2;
	s25 =	sshrl.u32 s23, $0x2;
	s23 =	simm.s32 $0x5500  }
0x10: {  	s4 =	ssub.s32 s20, s21;
	s8 =	sadd.s32 s8, s2;
	s10 =	sadd.s32 s11, s10  }
0x11: {  	s9 =	sshrl.u32 s22, $0x3;
	s11 =	sadd.s32 $0x128400, s2;
	s5 =	sadd.s32 s5, s24  }
0x12: {  	s26 =	sadd.s32 s25, s3;
	s10 =	sadd.s32 s0, s10;
	[dreg:$0xb] =	wrdreg s5  }
0x13: {  	s20 =	simm.s32 $0x3;
	s4 =	smax.u32 s4, $0x1;
	[dreg:$0x9] =	wrdreg s10  }
0x14: {  	s0 =	sadd.s32 s0, s9;
	s9 =	sshrl.u32 s26, $0x3;
	[dreg:$0xc] =	wrdreg s4  }
0x15: {  	s0 =	sadd.s32 $0x25080, s0;
	s4 =	sshrl.u32 @p0 s11, $0x3;
	[dreg:$0x11] =	wrdreg s9  }
.Ltmp0:
0x16: {  	[dreg:$0xd] =	wrdreg s4;
	s4 =	sshll.u32 @!p0 s14, $0x6;
	(pc) =	sbr.rel .LBB2_1-.Ltmp0, $4  }
0x17: {  	s21 =	simm.s32 $0x800;
	[dreg:$0xa] =	wrdreg s0;
	s4 =	sor.u32 @!p0 $0x1C03, s4  }
0x18: {  	s22 =	simm.s32 $0x1;
	[dreg:$0xe] =	wrdreg s4;
	s4 =	sshrl.u32 @!p0 s8, $0x3  }
0x19: {  	s24 =	simm.s32 $0x40;
	s8 =	sor.u32 $0x1C03, s31;
	[dreg:$0xf] =	wrdreg s4  }
0x1a: {  	v0 =	vimm.f32 $0.0e+00;
	v1 =	vimm.s32 $0x0;
	s25 =	simm.s32 $0x5980;
	s26 =	simm.s32 $0xC00;
	[dreg:$0x10] =	wrdreg s8  }
.LBB2_17:
0x1b: {  	s13 =	rddreg [dreg:$0x6]  }
0x1c: {  	s0 =	rddreg [dreg:$0xc];
	s13 =	sadd.s32 $0x1, s13  }
0x1d: {  	p1 =	sne.s32 s13, s0  }
.Ltmp1:
0x1e: {  	_ = 	snop;
	(pc) =	sbr.rel @!p1 .LBB2_18-.Ltmp1, $1  }
0x1f: {  	_ =	sdelay $0x3  }
.LBB2_1:
0x20: {  	[dreg:$0x6] =	wrdreg s13  }
0x21: {  	s4 =	rddreg [dreg:$0xa]  }
0x22: {  	s0 =	simm.s32 @p0 $0x1FC3;
	s5 =	rddreg [dreg:$0xd]  }
0x23: {  	[spmem:s5], [sflag:s0] =	dma.local @p0 [hbm:s4], $0x2080  }
0x24: {  	s0 =	simm.s32 @p0 $0x3  }
0x25: {  	_ =	swait.ge @p0 [sflag:s0], $0x2080  }
0x26: {  	s4 =	rddreg [dreg:$0xe]  }
0x27: {  	[sflag:s0] =	ssyncset.done @p0 $0x0;
	s5 =	rddreg [dreg:$0xf]  }
0x28: {  	[sflag:s0] =	ssyncadd.s32 @p0 $0xFFFFDF80;
	s0 =	rddreg [dreg:$0x9]  }
0x29: {  	[spmem:s5], [sflag:s4] =	dma.local @!p0 [hbm:s0], $0x2780  }
.Ltmp2:
0x2a: {  	_ = 	snop;
	(pc) =	sbr.rel .LBB2_2-.Ltmp2, $4  }
0x2b: {  	s0 =	simm.s32 @!p0 $0x3  }
0x2c: {  	_ =	swait.ge @!p0 [sflag:s0], $0x2780  }
0x2d: {  	[sflag:s0] =	ssyncset.done @!p0 $0x0  }
0x2e: {  	s31 =	simm.s32 $0x0;
	[sflag:s0] =	ssyncadd.s32 @!p0 $0xFFFFD880  }
.LBB2_16:
0x2f: {  	s4 =	rddreg [dreg:$0xb];
	[bflag:$0x0] =	sbarrier.arrive $0xFFFF  }
0x30: {  	s0 =	sadd.s32 s0, s4;
	s19 =	rddreg [dreg:$0x8]  }
0x31: {  	s31 =	sadd.s32 $0x1, s31;
	s8 =	rddreg [dreg:$0x10];
	s0 =	sshll.u32 s0, $0x4  }
0x32: {  	s9 =	rddreg [dreg:$0x11];
	p1 =	sne.s32 s31, $0x3;
	s0 =	sadd.s32 s19, s0  }
0x33: {  	[hbm:s0], [sflag:s8] =	dma.local [spmem:s9], $0xD80  }
.Ltmp3:
0x34: {  	_ =	swait.ge [sflag:s20], $0xD80;
	(pc) =	sbr.rel @!p1 .LBB2_17-.Ltmp3, $3  }
0x35: {  	[sflag:s20] =	ssyncset.done $0x0  }
0x36: {  	[sflag:s20] =	ssyncadd.s32 $0xFFFFF280  }
0x37: {  	[bflag:$0x0] =	sbarrier.arrive $0xFFFF;
	_ =	sdelay $0x1  }
.LBB2_2:
0x38: {  	s0 =	rddreg [dreg:$0x7]  }
0x39: {  	[spmem:s9], [sflag:s8] =	dma.local [hbm:s0], $0xD80  }
.Ltmp4:
0x3a: {  	_ =	swait.ge [sflag:s20], $0xD80;
	(pc) =	sbr.rel .LBB2_3-.Ltmp4, $4  }
0x3b: {  	[sflag:s20] =	ssyncset.done $0x0  }
0x3c: {  	s0 =	smul.u32 $0xD80, s31;
	[sflag:s20] =	ssyncadd.s32 $0xFFFFF280  }
0x3d: {  	[bflag:$0x0] =	sbarrier.arrive $0xFFFF  }
0x3e: {  	s5 =	simm.s32 $0x0;
	s10 =	simm.s32 $0x0;
	v2 =	vmov s0  }
.LBB2_15:
0x3f: {  	s10 =	sadd.s32 $0x1, s10  }
0x40: {  	p1 =	sne.s32 s10, $0x14  }
.Ltmp5:
0x41: {  	_ = 	snop;
	(pc) =	sbr.rel @!p1 .LBB2_16-.Ltmp5, $1  }
0x42: {  	_ =	sdelay $0x3  }
.LBB2_3:
0x43: {  	s4 =	sshll.u32 s10, $0x7  }
0x44: {  	s4 =	sadd.s32 s12, s4  }
0x45: {  	s8 =	sadd.s32 s6, s4  }
0x46: {  	[tilespmem:s5], [sflag:$0x3] =	stream.linear.gather [hbm4b:s8+s5], $0x400, $0x38;
	[tilespmem:$0x1FE80] =	vst v63  }
0x47: {  	_ =	swait.ge [sflag:s20], $0x400  }
0x48: {  	[sflag:s20] =	ssyncset.done $0x0  }
0x49: {  	s9 =	simm.s32 $0x400;
	s18 =	sadd.s32 s1, s4;
	[sflag:s20] =	ssyncadd.s32 $0xFFFFFC00  }
0x4a: {  	[tilespmem:s9], [sflag:$0x3] =	stream.linear.gather [hbm4b:s18+s5], $0x400, $0x38;
	[tilespmem:$0x1FE80] =	vst v63  }
0x4b: {  	_ =	swait.ge [sflag:s20], $0x400  }
0x4c: {  	[sflag:s20] =	ssyncset.done $0x0  }
0x4d: {  	s4 =	sadd.s32 s7, s4;
	[sflag:s20] =	ssyncadd.s32 $0xFFFFFC00  }
0x4e: {  	[tilespmem:s21], [sflag:$0x3] =	stream.linear.gather [hbm4b:s4+s5], $0x400, $0x38;
	[tilespmem:$0x1FE80] =	vst v63  }
0x4f: {  	_ =	swait.ge [sflag:s20], $0x400  }
0x50: {  	[sflag:s20] =	ssyncset.done $0x0  }
0x51: {  	[sflag:s20] =	ssyncadd.s32 $0xFFFFFC00  }
0x52: {  	v3 =	vld [tilespmem:s9+$0x0];
	_ =	sdelay $0x1  }
0x53: {  	v4 =	vld [tilespmem:s5+$0x0]  }
0x54: {  	s19 =	simm.s32 $0x820  }
0x55: {  	v5 =	vld [tilespmem:s19+$0xFFFFFFE0]  }
0x56: {  	v3 =	vsub.s32 v3, v2  }
0x57: {  	vm0 =	vlt.u32 v3, $0xD80  }
0x58: {  	s13 =	simm.s32 $0x10;
	[tilespmem:s5+$0x4C00] =	vst.msk vm0, v4;
	v4 =	vmpcnt.ones.xlane vm0  }
0x59: {  	s14 =	sand.u32 $0x380, s5;
	s8 =	sand.u32 $0x50, s13;
	[tilespmem:s5+$0x5080] =	vst.msk vm0, v3  }
0x5a: {  	s8 =	sor.u32 s14, s8;
	[tilespmem:s5+$0x5500] =	vst.msk vm0, v5;
	v3 =	vxor.u32 $0x80000000, v4  }
0x5b: {  	v4 =	vld [tilespmem:s8+$0x400];
	(xrf0) =	vmax.scan.msk.u32 $0xffff, v3;
	_ =	sdelay $0x4  }
0x5c: {  	v3 =	vsub.s32 v4, v2  }
0x5d: {  	vm13 =	vlt.u32 v3, $0xD80;
	v4, _, _ =	vpop (xrf0)  }
0x5e: {  	v5 =	vmpcnt.ones.xlane vm13;
	(v2sf) =	vpush v4, $0xF;
	_ =	sdelay $0x1  }
0x5f: {  	v4 =	vxor.u32 $0x80000000, v5  }
0x60: {  	(xrf0) =	vmax.scan.msk.u32 $0xffff, v4;
	_ =	sdelay $0x5  }
0x61: {  	v4, _, _ =	vpop (xrf0)  }
0x62: {  	(v2sf) =	vpush v4, $0xF;
	_ =	sdelay $0x2  }
0x63: {  	v4 =	vld [tilespmem:s8+$0x0];
	_ =	sdelay $0x1  }
0x64: {  	v5 =	vld [tilespmem:s19+$0xFFFFFFF0];
	s15 =	spop (v2sf)  }
0x65: {  	s8 =	sadd.s32 $0x0, s15  }
0x66: {  	s8 =	sadd.s32 $0x80000000, s8  }
0x67: {  	s11 =	simm.s32 $0x20;
	[tilespmem:s8+$0x4C00] =	vst.msk vm13, v4  }
0x68: {  	s11 =	sand.u32 $0x60, s11;
	[tilespmem:s8+$0x5080] =	vst.msk vm13, v3  }
0x69: {  	s11 =	sor.u32 s14, s11;
	[tilespmem:s8+$0x5500] =	vst.msk vm13, v5  }
0x6a: {  	v3 =	vld [tilespmem:s11+$0x400];
	_ =	sdelay $0x1  }
0x6b: {  	v4 =	vld [tilespmem:s11+$0x0];
	_ =	sdelay $0x1  }
0x6c: {  	v5 =	vld [tilespmem:s19+$0x0];
	s16 =	spop (v2sf)  }
0x6d: {  	s8 =	sadd.s32 s16, s8;
	v3 =	vsub.s32 v3, v2  }
0x6e: {  	s8 =	sadd.s32 $0x80000000, s8;
	vm14 =	vlt.u32 v3, $0xD80  }
0x6f: {  	s17 =	simm.s32 $0x30;
	[tilespmem:s8+$0x4C00] =	vst.msk vm14, v4;
	v4 =	vmpcnt.ones.xlane vm14  }
0x70: {  	s11 =	sand.u32 $0x70, s17;
	[tilespmem:s8+$0x5080] =	vst.msk vm14, v3  }
0x71: {  	s9 =	sor.u32 s14, s11;
	[tilespmem:s8+$0x5500] =	vst.msk vm14, v5;
	v3 =	vxor.u32 $0x80000000, v4  }
0x72: {  	v4 =	vld [tilespmem:s9+$0x400];
	(xrf0) =	vmax.scan.msk.u32 $0xffff, v3;
	_ =	sdelay $0x4  }
0x73: {  	v3 =	vsub.s32 v4, v2  }
0x74: {  	vm15 =	vlt.u32 v3, $0xD80;
	v4, _, _ =	vpop (xrf0)  }
0x75: {  	v5 =	vmpcnt.ones.xlane vm15;
	(v2sf) =	vpush v4, $0xF;
	_ =	sdelay $0x1  }
0x76: {  	v4 =	vxor.u32 $0x80000000, v5  }
0x77: {  	(xrf0) =	vmax.scan.msk.u32 $0xffff, v4;
	_ =	sdelay $0x5  }
0x78: {  	v4, _, _ =	vpop (xrf0)  }
0x79: {  	(v2sf) =	vpush v4, $0xF;
	_ =	sdelay $0x2  }
0x7a: {  	v4 =	vld [tilespmem:s9+$0x0];
	_ =	sdelay $0x1  }
0x7b: {  	v5 =	vld [tilespmem:s19+$0x10];
	s18 =	spop (v2sf)  }
0x7c: {  	s4 =	sadd.s32 s18, s8  }
0x7d: {  	s19 =	sadd.s32 $0x80000000, s4  }
0x7e: {  	[tilespmem:s19+$0x4C00] =	vst.msk vm15, v4  }
0x7f: {  	[tilespmem:s19+$0x5080] =	vst.msk vm15, v3  }
0x80: {  	s8 =	simm.s32 $0x440;
	[tilespmem:s19+$0x5500] =	vst.msk vm15, v5  }
0x81: {  	v5 =	vld [tilespmem:s8+$0x0];
	_ =	sdelay $0x1  }
0x82: {  	s11 =	simm.s32 $0x40  }
0x83: {  	v4 =	vld [tilespmem:s11+$0x0]  }
0x84: {  	s4 =	simm.s32 $0x860;
	s15 =	spop (v2sf)  }
0x85: {  	s14 =	simm.s32 $0x80;
	s9 =	simm.s32 $0x40;
	v3 =	vld [tilespmem:s4+$0xFFFFFFE0];
	v5 =	vsub.s32 v5, v2;
	s15 =	sadd.s32 s15, s19  }
.LBB2_4:
0x86: {  	p1 =	sne.s32 s14, $0x3C0  }
0x87: {  	vm0 =	vlt.u32 v5, $0xD80;
	s17 =	sadd.s32 $0x80000000, s15;
	s15 =	smov.u32 s14;
	s14 =	sadd.s32 $0x40, s14  }
0x88: {  	s13 =	sadd.s32 $0x10, s11;
	[tilespmem:s17+$0x4C00] =	vst.msk vm0, v4;
	v4 =	vmpcnt.ones.xlane vm0  }
0x89: {  	s16 =	sand.u32 $0x380, s11;
	s13 =	sand.u32 $0x50, s13;
	[tilespmem:s17+$0x5080] =	vst.msk vm0, v5  }
0x8a: {  	s13 =	sor.u32 s16, s13;
	[tilespmem:s17+$0x5500] =	vst.msk vm0, v3;
	v3 =	vxor.u32 $0x80000000, v4  }
0x8b: {  	v4 =	vld [tilespmem:s13+$0x400];
	(xrf0) =	vmax.scan.msk.u32 $0xffff, v3;
	_ =	sdelay $0x4  }
0x8c: {  	v3 =	vsub.s32 v4, v2  }
0x8d: {  	vm0 =	vlt.u32 v3, $0xD80;
	v4, _, _ =	vpop (xrf0)  }
0x8e: {  	v5 =	vmpcnt.ones.xlane vm0;
	(v2sf) =	vpush v4, $0xF;
	_ =	sdelay $0x1  }
0x8f: {  	v4 =	vxor.u32 $0x80000000, v5  }
0x90: {  	(xrf0) =	vmax.scan.msk.u32 $0xffff, v4;
	_ =	sdelay $0x5  }
0x91: {  	v4, _, _ =	vpop (xrf0)  }
0x92: {  	(v2sf) =	vpush v4, $0xF;
	_ =	sdelay $0x2  }
0x93: {  	v4 =	vld [tilespmem:s13+$0x0];
	_ =	sdelay $0x1  }
0x94: {  	v5 =	vld [tilespmem:s4+$0xFFFFFFF0];
	s13 =	spop (v2sf)  }
0x95: {  	s13 =	sadd.s32 s13, s17  }
0x96: {  	s13 =	sadd.s32 $0x80000000, s13  }
0x97: {  	s17 =	sadd.s32 $0x20, s11;
	[tilespmem:s13+$0x4C00] =	vst.msk vm0, v4  }
0x98: {  	s17 =	sand.u32 $0x60, s17;
	[tilespmem:s13+$0x5080] =	vst.msk vm0, v3  }
0x99: {  	s17 =	sor.u32 s16, s17;
	[tilespmem:s13+$0x5500] =	vst.msk vm0, v5  }
0x9a: {  	v3 =	vld [tilespmem:s17+$0x400];
	_ =	sdelay $0x1  }
0x9b: {  	v4 =	vld [tilespmem:s17+$0x0];
	_ =	sdelay $0x1  }
0x9c: {  	v5 =	vld [tilespmem:s4+$0x0];
	s17 =	spop (v2sf)  }
0x9d: {  	s13 =	sadd.s32 s17, s13;
	v3 =	vsub.s32 v3, v2  }
0x9e: {  	s13 =	sadd.s32 $0x80000000, s13;
	vm0 =	vlt.u32 v3, $0xD80  }
0x9f: {  	s17 =	sadd.s32 $0x30, s11;
	s11 =	smov.u32 s15;
	[tilespmem:s13+$0x4C00] =	vst.msk vm0, v4;
	v4 =	vmpcnt.ones.xlane vm0  }
0xa0: {  	s15 =	sand.u32 $0x70, s17;
	[tilespmem:s13+$0x5080] =	vst.msk vm0, v3  }
0xa1: {  	s15 =	sor.u32 s16, s15;
	[tilespmem:s13+$0x5500] =	vst.msk vm0, v5;
	v3 =	vxor.u32 $0x80000000, v4  }
0xa2: {  	v4 =	vld [tilespmem:s15+$0x400];
	(xrf0) =	vmax.scan.msk.u32 $0xffff, v3  }
0xa3: {  	v3 =	vld [tilespmem:s15+$0x0]  }
0xa4: {  	v5 =	vld [tilespmem:s4+$0x10];
	_ =	sdelay $0x2  }
0xa5: {  	v4 =	vsub.s32 v4, v2  }
0xa6: {  	vm0 =	vlt.u32 v4, $0xD80;
	v6, _, _ =	vpop (xrf0)  }
0xa7: {  	v7 =	vmpcnt.ones.xlane vm0;
	(v2sf) =	vpush v6, $0xF;
	_ =	sdelay $0x1  }
0xa8: {  	v6 =	vxor.u32 $0x80000000, v7  }
0xa9: {  	(xrf0) =	vmax.scan.msk.u32 $0xffff, v6;
	_ =	sdelay $0x5  }
0xaa: {  	v6, _, _ =	vpop (xrf0)  }
0xab: {  	(v2sf) =	vpush v6, $0xF;
	_ =	sdelay $0x4  }
0xac: {  	s15 =	spop (v2sf)  }
0xad: {  	s13 =	sadd.s32 s15, s13  }
0xae: {  	s13 =	sadd.s32 $0x80000000, s13  }
0xaf: {  	[tilespmem:s13+$0x4C00] =	vst.msk vm0, v3  }
0xb0: {  	[tilespmem:s13+$0x5080] =	vst.msk vm0, v4  }
0xb1: {  	s8 =	sadd.s32 $0x40, s8;
	[tilespmem:s13+$0x5500] =	vst.msk vm0, v5  }
0xb2: {  	v5 =	vld [tilespmem:s8+$0x0]  }
.Ltmp6:
0xb3: {  	s9 =	sadd.s32 $0x40, s9;
	(pc) =	sbr.rel @p1 .LBB2_4-.Ltmp6, $4  }
0xb4: {  	v4 =	vld [tilespmem:s9+$0x0]  }
0xb5: {  	s4 =	sadd.s32 $0x40, s4  }
0xb6: {  	v3 =	vld [tilespmem:s4+$0xFFFFFFE0];
	s15 =	spop (v2sf)  }
0xb7: {  	v5 =	vsub.s32 v5, v2;
	s15 =	sadd.s32 s15, s13  }
0xb8: {  	vm0 =	vlt.u32 v5, $0xD80;
	s8 =	sadd.s32 $0x80000000, s15  }
0xb9: {  	s9 =	sadd.s32 $0x10, s11;
	[tilespmem:s8+$0x4C00] =	vst.msk vm0, v4;
	v52 =	vmpcnt.ones.xlane vm0  }
0xba: {  	s13 =	sand.u32 $0x380, s11;
	s9 =	sand.u32 $0x50, s9;
	[tilespmem:s8+$0x5080] =	vst.msk vm0, v5  }
0xbb: {  	s9 =	sor.u32 s13, s9;
	[tilespmem:s8+$0x5500] =	vst.msk vm0, v3;
	v3 =	vxor.u32 $0x80000000, v52  }
0xbc: {  	v53 =	vld [tilespmem:s9+$0x400];
	(xrf0) =	vmax.scan.msk.u32 $0xffff, v3;
	_ =	sdelay $0x4  }
0xbd: {  	v3 =	vsub.s32 v53, v2  }
0xbe: {  	vm13 =	vlt.u32 v3, $0xD80;
	v54, _, _ =	vpop (xrf0)  }
0xbf: {  	v55 =	vmpcnt.ones.xlane vm13;
	(v2sf) =	vpush v54, $0xF;
	_ =	sdelay $0x1  }
0xc0: {  	v56 =	vxor.u32 $0x80000000, v55  }
0xc1: {  	(xrf0) =	vmax.scan.msk.u32 $0xffff, v56;
	_ =	sdelay $0x5  }
0xc2: {  	v4, _, _ =	vpop (xrf0)  }
0xc3: {  	(v2sf) =	vpush v4, $0xF;
	_ =	sdelay $0x2  }
0xc4: {  	v57 =	vld [tilespmem:s9+$0x0];
	_ =	sdelay $0x1  }
0xc5: {  	v58 =	vld [tilespmem:s4+$0xFFFFFFF0];
	s19 =	spop (v2sf)  }
0xc6: {  	s8 =	sadd.s32 s19, s8  }
0xc7: {  	s8 =	sadd.s32 $0x80000000, s8  }
0xc8: {  	s14 =	sadd.s32 $0x20, s11;
	[tilespmem:s8+$0x4C00] =	vst.msk vm13, v57  }
0xc9: {  	s9 =	sand.u32 $0x60, s14;
	[tilespmem:s8+$0x5080] =	vst.msk vm13, v3  }
0xca: {  	s9 =	sor.u32 s13, s9;
	[tilespmem:s8+$0x5500] =	vst.msk vm13, v58  }
0xcb: {  	v3 =	vld [tilespmem:s9+$0x400];
	_ =	sdelay $0x1  }
0xcc: {  	v4 =	vld [tilespmem:s9+$0x0];
	_ =	sdelay $0x1  }
0xcd: {  	v5 =	vld [tilespmem:s4+$0x0];
	s15 =	spop (v2sf)  }
0xce: {  	s8 =	sadd.s32 s15, s8;
	v3 =	vsub.s32 v3, v2  }
0xcf: {  	s8 =	sadd.s32 $0x80000000, s8;
	vm14 =	vlt.u32 v3, $0xD80  }
0xd0: {  	s16 =	sadd.s32 $0x30, s11;
	[tilespmem:s8+$0x4C00] =	vst.msk vm14, v4  }
0xd1: {  	s9 =	sand.u32 $0x70, s16;
	[tilespmem:s8+$0x5080] =	vst.msk vm14, v3  }
0xd2: {  	s9 =	sor.u32 s13, s9;
	[tilespmem:s8+$0x5500] =	vst.msk vm14, v5  }
0xd3: {  	v3 =	vld [tilespmem:s9+$0x400];
	_ =	sdelay $0x3  }
0xd4: {  	v59 =	vmpcnt.ones.xlane vm14  }
0xd5: {  	v3 =	vsub.s32 v3, v2  }
0xd6: {  	v4 =	vxor.u32 $0x80000000, v59;
	vm15 =	vlt.u32 v3, $0xD80  }
0xd7: {  	(xrf0) =	vmax.scan.msk.u32 $0xffff, v4;
	v60 =	vmpcnt.ones.xlane vm15;
	_ =	sdelay $0x1  }
0xd8: {  	v4 =	vxor.u32 $0x80000000, v60  }
0xd9: {  	(xrf0) =	vmax.scan.msk.u32 $0xffff, v4;
	_ =	sdelay $0x2  }
0xda: {  	v61, _, _ =	vpop (xrf0)  }
0xdb: {  	(v2sf) =	vpush v61, $0xF;
	_ =	sdelay $0x1  }
0xdc: {  	v62, _, _ =	vpop (xrf0)  }
0xdd: {  	(v2sf) =	vpush v62, $0xF;
	_ =	sdelay $0x9  }
0xde: {  	v63 =	vld [tilespmem:s9+$0x0];
	_ =	sdelay $0x1  }
0xdf: {  	v5 =	vld [tilespmem:s4+$0x10];
	s17 =	spop (v2sf)  }
0xe0: {  	s4 =	sadd.s32 s17, s8  }
0xe1: {  	s4 =	sadd.s32 $0x80000000, s4  }
0xe2: {  	[tilespmem:s4+$0x4C00] =	vst.msk vm15, v63;
	s18 =	spop (v2sf)  }
0xe3: {  	[tilespmem:s4+$0x5080] =	vst.msk vm15, v3;
	s8 =	sadd.s32 s18, s4  }
0xe4: {  	[tilespmem:s4+$0x5500] =	vst.msk vm15, v5;
	s19 =	sadd.s32 $0x80000000, s8  }
0xe5: {  	[tilespmem:s19+$0x5500] =	vst v0  }
0xe6: {  	[tilespmem:s19+$0x5080] =	vst v1  }
0xe7: {  	[tilespmem:s19+$0x4C00] =	vst v1  }
0xe8: {  	[tilespmem:s19+$0x5510] =	vst v0  }
0xe9: {  	[tilespmem:s19+$0x5090] =	vst v1  }
0xea: {  	[tilespmem:s19+$0x4C10] =	vst v1  }
0xeb: {  	[tilespmem:s19+$0x5520] =	vst v0  }
0xec: {  	[tilespmem:s19+$0x50A0] =	vst v1  }
.Ltmp7:
0xed: {  	[tilespmem:s19+$0x4C20] =	vst v1;
	s8 =	sadd.s32 $0x3F, s19;
	(pc) =	sbr.rel .LBB2_6-.Ltmp7, $4  }
0xee: {  	[tilespmem:s19+$0x5530] =	vst v0;
	s11 =	sshra.s32 s8, $0x6  }
0xef: {  	s14 =	simm.s32 $0x0;
	s15 =	simm.s32 $0x0;
	[tilespmem:s19+$0x50B0] =	vst v1;
	p1 =	slt.s32 s11, $0x1  }
0xf0: {  	[tilespmem:s19+$0x4C30] =	vst v1;
	s4 =	simm.s32 @!p1 $0x40;
	s8 =	simm.s32 @!p1 $0x4C00;
	s9 =	simm.s32 @!p1 $0xC00  }
0xf1: {  	[tilespmem:s9], [sflag:$0x1] =	stream.indirect.gather @!p1 [spmem:s2], $0x80, s8, s4, $0xb8;
	[tilespmem:$0x1FE80] =	vst v63  }
.LBB2_14:
0xf2: {  	s15 =	sadd.s32 $0x1, s15  }
0xf3: {  	p1 =	sne.s32 s15, $0x9  }
.Ltmp8:
0xf4: {  	_ = 	snop;
	(pc) =	sbr.rel @!p1 .LBB2_15-.Ltmp8, $2  }
0xf5: {  	_ =	sdelay $0x2  }
0xf6: {  	s14 =	sadd.s32 $0x80, s14  }
.LBB2_6:
0xf7: {  	s17 =	sshll.u32 s15, $0x1  }
0xf8: {  	p1 =	sge.s32 s17, s11  }
.Ltmp9:
0xf9: {  	_ = 	snop;
	(pc) =	sbr.rel @p1 .LBB2_10-.Ltmp9, $2  }
0xfa: {  	_ =	sdelay $0x2  }
0xfb: {  	s16 =	sshllo.u32 s15, $0x1  }
0xfc: {  	s8 =	sadd.s32 $0xFFFFFFFC, s14  }
0xfd: {  	p1 =	sge.u32 s16, s11;
	s4 =	sadd.s32 $0x6, s8  }
0xfe: {  	v3 =	vmov s4;
	s4 =	sshll.u32 @!p1 s16, $0x6  }
0xff: {  	s9 =	sadd.s32 $0x4, s8;
	s4 =	sand.u32 @!p1 $0x3FFFFFC0, s4  }
0x100: {  	s13 =	simm.s32 @!p1 $0x2C00;
	v4 =	vmov s9;
	s9 =	simm.s32 @!p1 $0x40;
	s4 =	sadd.s32 @!p1 $0x4C00, s4  }
0x101: {  	[tilespmem:s13], [sflag:$0x2] =	stream.indirect.gather @!p1 [spmem:s2], $0x80, s4, s9, $0xb8;
	[tilespmem:$0x1FE80] =	vst v63  }
0x102: {  	v4 =	vand.u32 $0xFFFFFFFC, v4;
	_ =	swait.ge [sflag:s22], $0x2000  }
0x103: {  	v3 =	vand.u32 $0xFFFFFFFE, v3;
	v4 =	vbroadcast v4, $0x0;
	[sflag:s22] =	ssyncset.done $0x0  }
0x104: {  	v3 =	vbroadcast v3, $0x0;
	s4 =	simm.s32 $0xD00;
	[sflag:s22] =	ssyncadd.s32 $0xFFFFE000  }
0x105: {  	v5 =	vld [tilespmem:s4+$0x70]  }
0x106: {  	v7 =	vld [tilespmem:s4+$0xFFFFFF00]  }
0x107: {  	s19 =	sadd.s32 $0x5, s8;
	v8 =	vld [tilespmem:s4+$0xFFFFFF10]  }
0x108: {  	v6 =	vmov s19;
	v9 =	vld [tilespmem:s4+$0xFFFFFF20]  }
0x109: {  	v6 =	vand.u32 $0xFFFFFFFD, v6;
	v4 =	vld.idx.msk [tilespmem:v4+s23+$0x0], $0xffff  }
0x10a: {  	v6 =	vbroadcast v6, $0x0;
	v3 =	vld.idx.msk [tilespmem:v3+s23+$0x0], $0xffff  }
0x10b: {  	v10 =	vld [tilespmem:s4+$0xFFFFFF30]  }
0x10c: {  	v11 =	vld [tilespmem:s4+$0xFFFFFF40]  }
0x10d: {  	v12 =	vld [tilespmem:s4+$0xFFFFFF50]  }
0x10e: {  	v13 =	vld [tilespmem:s4+$0xFFFFFF60];
	v7 =	vmul.f32 v7, v4  }
0x10f: {  	v61 =	vld [tilespmem:s4+$0xFFFFFFB0];
	v5 =	vmul.f32 v5, v3  }
0x110: {  	v6 =	vld.idx.msk [tilespmem:v6+s23+$0x0], $0xffff;
	[tilespmem:s4+$0xFFFFFF00] =	vst v7;
	v7 =	vmul.f32 v8, v4  }
0x111: {  	v8 =	vld [tilespmem:s4+$0xFFFFFF70];
	[tilespmem:s4+$0x70] =	vst v5;
	v5 =	vmul.f32 v9, v4  }
0x112: {  	s8 =	sadd.s32 $0x7, s8;
	v9 =	vld [tilespmem:s4+$0xFFFFFF80];
	[tilespmem:s4+$0xFFFFFF10] =	vst v7;
	v7 =	vmul.f32 v10, v4  }
0x113: {  	v14 =	vmov s8;
	v10 =	vld [tilespmem:s4+$0xFFFFFF90];
	[tilespmem:s4+$0xFFFFFF20] =	vst v5;
	v5 =	vmul.f32 v11, v4  }
0x114: {  	v11 =	vld [tilespmem:s4+$0xFFFFFFA0];
	[tilespmem:s4+$0xFFFFFF30] =	vst v7;
	v7 =	vmul.f32 v12, v4  }
0x115: {  	v62 =	vld [tilespmem:s4+$0xFFFFFFC0];
	[tilespmem:s4+$0xFFFFFF40] =	vst v5;
	v5 =	vmul.f32 v13, v4  }
0x116: {  	v15 =	vld [tilespmem:s4+$0xFFFFFFD0];
	v8 =	vmul.f32 v8, v4;
	[tilespmem:s4+$0xFFFFFF50] =	vst v7  }
0x117: {  	v16 =	vld [tilespmem:s4+$0xFFFFFFE0];
	v7 =	vmul.f32 v9, v6;
	[tilespmem:s4+$0xFFFFFF60] =	vst v5  }
0x118: {  	v4 =	vld.idx.msk [tilespmem:v14+s23+$0x0], $0xffff;
	v5 =	vmul.f32 v10, v6;
	[tilespmem:s4+$0xFFFFFF70] =	vst v8  }
0x119: {  	v10 =	vld [tilespmem:s4+$0xFFFFFFF0];
	[tilespmem:s4+$0xFFFFFF80] =	vst v7;
	v7 =	vmul.f32 v11, v6  }
0x11a: {  	v9 =	vld [tilespmem:s4+$0x0];
	v11 =	vmul.f32 v62, v6;
	[tilespmem:s4+$0xFFFFFF90] =	vst v5  }
0x11b: {  	v8 =	vld [tilespmem:s4+$0x10];
	v5 =	vmul.f32 v61, v6;
	[tilespmem:s4+$0xFFFFFFA0] =	vst v7  }
0x11c: {  	v63 =	vmul.f32 v15, v6;
	v7 =	vld [tilespmem:s4+$0x20];
	[tilespmem:s4+$0xFFFFFFC0] =	vst v11  }
0x11d: {  	v11 =	vmul.f32 v16, v6;
	[tilespmem:s4+$0xFFFFFFB0] =	vst v5;
	v5 =	vld [tilespmem:s4+$0x30]  }
0x11e: {  	s8 =	simm.s32 $0xD00;
	s9 =	simm.s32 $0x0;
	[tilespmem:s4+$0xFFFFFFD0] =	vst v63;
	v10 =	vmul.f32 v10, v6;
	v6 =	vld [tilespmem:s4+$0x40]  }
.LBB2_8:
0x11f: {  	s13 =	sadd.s32 s9, s14;
	s9 =	sadd.s32 $0x4, s9;
	[tilespmem:s4+$0xFFFFFFE0] =	vst v11;
	v9 =	vmul.f32 v9, v3;
	v11 =	vld [tilespmem:s4+$0x50]  }
0x120: {  	s18 =	sadd.s32 $0x4, s13;
	s19 =	sadd.s32 $0x6, s13;
	p1 =	slt.u32 s9, $0x3C;
	[tilespmem:s4+$0xFFFFFFF0] =	vst v10;
	v8 =	vmul.f32 v8, v3;
	v10 =	vld [tilespmem:s4+$0x60]  }
0x121: {  	v12 =	vmov s18;
	s18 =	sadd.s32 $0x5, s13;
	v13 =	vmov s19;
	s13 =	sadd.s32 $0x7, s13;
	[tilespmem:s4+$0x0] =	vst v9;
	v7 =	vmul.f32 v7, v3;
	v9 =	vld [tilespmem:s4+$0x80]  }
0x122: {  	v12 =	vand.u32 $0xFFFFFFFC, v12;
	v14 =	vmov s18;
	v13 =	vand.u32 $0xFFFFFFFE, v13;
	[tilespmem:s4+$0x10] =	vst v8;
	v8 =	vld [tilespmem:s4+$0x90]  }
0x123: {  	v12 =	vbroadcast v12, $0x0;
	v14 =	vand.u32 $0xFFFFFFFD, v14;
	v13 =	vbroadcast v13, $0x0;
	[tilespmem:s4+$0x20] =	vst v7;
	v7 =	vld [tilespmem:s4+$0xA0]  }
0x124: {  	v15 =	vmov s13;
	v5 =	vmul.f32 v5, v3;
	v14 =	vbroadcast v14, $0x0;
	v16 =	vld [tilespmem:s4+$0xB0]  }
0x125: {  	v6 =	vmul.f32 v6, v3;
	v11 =	vmul.f32 v11, v3;
	v17 =	vld [tilespmem:s4+$0xC0]  }
0x126: {  	[tilespmem:s4+$0x30] =	vst v5;
	v5 =	vmul.f32 v10, v3;
	v9 =	vmul.f32 v9, v4;
	v10 =	vld [tilespmem:s4+$0xD0]  }
0x127: {  	[tilespmem:s4+$0x40] =	vst v6;
	v6 =	vmul.f32 v8, v4;
	v8 =	vld [tilespmem:s4+$0xE0]  }
0x128: {  	[tilespmem:s4+$0x50] =	vst v11;
	v7 =	vmul.f32 v7, v4;
	v11 =	vld [tilespmem:s4+$0xF0]  }
0x129: {  	s4 =	sadd.s32 $0x200, s4;
	v3 =	vld.idx.msk [tilespmem:v13+s23+$0x0], $0xffff;
	[tilespmem:s8+$0x60] =	vst v5;
	v5 =	vmul.f32 v16, v4  }
0x12a: {  	v13 =	vld [tilespmem:s4+$0x70];
	[tilespmem:s8+$0x80] =	vst v9;
	v9 =	vmul.f32 v17, v4  }
0x12b: {  	v12 =	vld.idx.msk [tilespmem:v12+s23+$0x0], $0xffff;
	[tilespmem:s8+$0x90] =	vst v6;
	v6 =	vmul.f32 v10, v4  }
0x12c: {  	v10 =	vld.idx.msk [tilespmem:v14+s23+$0x0], $0xffff;
	[tilespmem:s8+$0xA0] =	vst v7;
	v7 =	vmul.f32 v8, v4  }
0x12d: {  	[tilespmem:s8+$0xB0] =	vst v5;
	v5 =	vmul.f32 v11, v4;
	v4 =	vld.idx.msk [tilespmem:v15+s23+$0x0], $0xffff  }
0x12e: {  	v8 =	vld [tilespmem:s4+$0xFFFFFF00];
	[tilespmem:s8+$0xC0] =	vst v9  }
0x12f: {  	v9 =	vld [tilespmem:s4+$0xFFFFFF10];
	v11 =	vmul.f32 v13, v3;
	[tilespmem:s8+$0xD0] =	vst v6  }
0x130: {  	v6 =	vld [tilespmem:s4+$0xFFFFFF20];
	[tilespmem:s8+$0xE0] =	vst v7  }
0x131: {  	v7 =	vld [tilespmem:s4+$0xFFFFFF30];
	[tilespmem:s4+$0x70] =	vst v11  }
0x132: {  	v11 =	vld [tilespmem:s4+$0xFFFFFF40];
	[tilespmem:s8+$0xF0] =	vst v5;
	s8 =	smov.u32 s4  }
0x133: {  	v5 =	vmul.f32 v8, v12;
	v8 =	vld [tilespmem:s4+$0xFFFFFF50]  }
0x134: {  	v9 =	vmul.f32 v9, v12;
	v13 =	vld [tilespmem:s4+$0xFFFFFF60]  }
0x135: {  	[tilespmem:s4+$0xFFFFFF00] =	vst v5;
	v5 =	vmul.f32 v6, v12;
	v6 =	vld [tilespmem:s4+$0xFFFFFF70]  }
0x136: {  	[tilespmem:s4+$0xFFFFFF10] =	vst v9;
	v7 =	vmul.f32 v7, v12;
	v9 =	vld [tilespmem:s4+$0xFFFFFF80]  }
0x137: {  	[tilespmem:s4+$0xFFFFFF20] =	vst v5;
	v5 =	vmul.f32 v11, v12;
	v11 =	vld [tilespmem:s4+$0xFFFFFF90]  }
0x138: {  	[tilespmem:s4+$0xFFFFFF30] =	vst v7;
	v7 =	vmul.f32 v8, v12;
	v8 =	vld [tilespmem:s4+$0xFFFFFFA0]  }
0x139: {  	[tilespmem:s4+$0xFFFFFF40] =	vst v5;
	v5 =	vmul.f32 v13, v12;
	v13 =	vld [tilespmem:s4+$0xFFFFFFB0]  }
0x13a: {  	[tilespmem:s4+$0xFFFFFF50] =	vst v7;
	v6 =	vmul.f32 v6, v12;
	v7 =	vld [tilespmem:s4+$0xFFFFFFC0]  }
0x13b: {  	[tilespmem:s4+$0xFFFFFF60] =	vst v5;
	v5 =	vmul.f32 v9, v10;
	v12 =	vld [tilespmem:s4+$0xFFFFFFD0]  }
0x13c: {  	[tilespmem:s4+$0xFFFFFF70] =	vst v6;
	v6 =	vmul.f32 v11, v10;
	v11 =	vld [tilespmem:s4+$0xFFFFFFE0]  }
0x13d: {  	[tilespmem:s4+$0xFFFFFF80] =	vst v5;
	v5 =	vmul.f32 v8, v10;
	v14 =	vld [tilespmem:s4+$0xFFFFFFF0]  }
.Ltmp10:
0x13e: {  	[tilespmem:s4+$0xFFFFFF90] =	vst v6;
	v6 =	vmul.f32 v13, v10;
	v9 =	vld [tilespmem:s4+$0x0];
	(pc) =	sbr.rel @p1 .LBB2_8-.Ltmp10, $4  }
0x13f: {  	[tilespmem:s4+$0xFFFFFFA0] =	vst v5;
	v5 =	vmul.f32 v7, v10;
	v8 =	vld [tilespmem:s4+$0x10]  }
0x140: {  	[tilespmem:s4+$0xFFFFFFB0] =	vst v6;
	v6 =	vmul.f32 v12, v10;
	v7 =	vld [tilespmem:s4+$0x20]  }
0x141: {  	[tilespmem:s4+$0xFFFFFFC0] =	vst v5;
	v11 =	vmul.f32 v11, v10;
	v5 =	vld [tilespmem:s4+$0x30]  }
0x142: {  	[tilespmem:s4+$0xFFFFFFD0] =	vst v6;
	v10 =	vmul.f32 v14, v10;
	v6 =	vld [tilespmem:s4+$0x40]  }
0x143: {  	v12 =	vld [tilespmem:s4+$0x50]  }
0x144: {  	[tilespmem:s4+$0xFFFFFFE0] =	vst v11;
	v9 =	vmul.f32 v9, v3;
	v51 =	vld [tilespmem:s4+$0x60]  }
0x145: {  	v52 =	vld [tilespmem:s4+$0x80];
	[tilespmem:s4+$0xFFFFFFF0] =	vst v10;
	v8 =	vmul.f32 v8, v3  }
0x146: {  	v53 =	vld [tilespmem:s4+$0x90];
	[tilespmem:s4+$0x0] =	vst v9;
	v7 =	vmul.f32 v7, v3  }
0x147: {  	v55 =	vld [tilespmem:s4+$0xB0];
	[tilespmem:s4+$0x10] =	vst v8;
	v5 =	vmul.f32 v5, v3  }
0x148: {  	v13 =	vld [tilespmem:s4+$0xC0];
	[tilespmem:s4+$0x20] =	vst v7;
	v6 =	vmul.f32 v6, v3  }
0x149: {  	v54 =	vld [tilespmem:s4+$0xA0];
	v12 =	vmul.f32 v12, v3;
	[tilespmem:s4+$0x30] =	vst v5  }
0x14a: {  	v58 =	vld [tilespmem:s4+$0xE0];
	v57 =	vmul.f32 v52, v4;
	[tilespmem:s4+$0x40] =	vst v6  }
0x14b: {  	v56 =	vld [tilespmem:s4+$0xD0];
	v9 =	vmul.f32 v53, v4;
	[tilespmem:s4+$0x50] =	vst v12  }
0x14c: {  	v59 =	vld [tilespmem:s4+$0xF0];
	v60 =	vmul.f32 v55, v4;
	[tilespmem:s8+$0x80] =	vst v57  }
0x14d: {  	v61 =	vmul.f32 v13, v4;
	[tilespmem:s8+$0x90] =	vst v9  }
0x14e: {  	v3 =	vmul.f32 v51, v3;
	[tilespmem:s8+$0xB0] =	vst v60  }
0x14f: {  	v62 =	vmul.f32 v58, v4;
	[tilespmem:s8+$0xC0] =	vst v61  }
0x150: {  	[tilespmem:s8+$0x60] =	vst v3;
	v3 =	vmul.f32 v54, v4  }
0x151: {  	v63 =	vmul.f32 v59, v4;
	[tilespmem:s8+$0xE0] =	vst v62  }
0x152: {  	[tilespmem:s8+$0xA0] =	vst v3;
	v3 =	vmul.f32 v56, v4  }
0x153: {  	s19 =	sshll.u32 s15, $0x7;
	[tilespmem:s8+$0xF0] =	vst v63  }
0x154: {  	s4 =	sand.u32 $0x3FFFFF80, s19;
	[tilespmem:s8+$0xD0] =	vst v3  }
0x155: {  	v3 =	vld [tilespmem:s4+$0x5080];
	_ =	sdelay $0x4  }
0x156: {  	[tilespmem:$0x5980] =	vst v3  }
0x157: {  	v3 =	vld [tilespmem:s4+$0x5090];
	_ =	sdelay $0x4  }
0x158: {  	[tilespmem:$0x5990] =	vst v3  }
0x159: {  	v3 =	vld [tilespmem:s4+$0x50A0];
	_ =	sdelay $0x4  }
0x15a: {  	[tilespmem:$0x59A0] =	vst v3  }
0x15b: {  	v3 =	vld [tilespmem:s4+$0x50B0];
	_ =	sdelay $0x4  }
0x15c: {  	[tilespmem:$0x59B0] =	vst v3  }
0x15d: {  	[spmem:s3] =	stream.indirect.scatter.add.f32 [tilespmem:s26], [sflag:$0x4], $0x80, s25, s24, $0xb8;
	[tilespmem:$0x1FE80] =	vst v63  }
0x15e: {  	_ =	swait.ge [sflag:s28], $0x2000  }
0x15f: {  	[sflag:s28] =	ssyncset.done $0x0  }
0x160: {  	[sflag:s28] =	ssyncadd.s32 $0xFFFFE000  }
.LBB2_10:
0x161: {  	p1 =	sge.s32 s16, s11  }
.Ltmp11:
0x162: {  	_ = 	snop;
	(pc) =	sbr.rel @p1 .LBB2_14-.Ltmp11, $1  }
0x163: {  	_ =	sdelay $0x3  }
0x164: {  	s8 =	sadd.s32 $0x2, s17  }
0x165: {  	p1 =	sge.s32 s8, s11  }
0x166: {  	s4 =	sadd.s32 $0xFFFFFFFC, s14;
	s8 =	sshll.u32 @!p1 s8, $0x6  }
0x167: {  	s9 =	sadd.s32 $0x46, s4;
	s18 =	sadd.s32 $0x44, s4;
	s8 =	sand.u32 @!p1 $0x3FFFFFC0, s8  }
0x168: {  	v3 =	vmov s9;
	s9 =	simm.s32 @!p1 $0x40;
	s13 =	simm.s32 @!p1 $0xC00;
	s8 =	sadd.s32 @!p1 $0x4C00, s8  }
0x169: {  	v4 =	vmov s18;
	[tilespmem:s13], [sflag:$0x1] =	stream.indirect.gather @!p1 [spmem:s2], $0x80, s8, s9, $0xb8;
	[tilespmem:$0x1FE80] =	vst v63  }
0x16a: {  	v4 =	vand.u32 $0xFFFFFFFC, v4;
	_ =	swait.ge [sflag:s29], $0x2000  }
0x16b: {  	v3 =	vand.u32 $0xFFFFFFFE, v3;
	v4 =	vbroadcast v4, $0x0;
	[sflag:s29] =	ssyncset.done $0x0  }
0x16c: {  	s17 =	simm.s32 $0x2D00;
	v3 =	vbroadcast v3, $0x0;
	[sflag:s29] =	ssyncadd.s32 $0xFFFFE000  }
0x16d: {  	v5 =	vld [tilespmem:s17+$0x70]  }
0x16e: {  	v7 =	vld [tilespmem:s17+$0xFFFFFF00]  }
0x16f: {  	s19 =	sadd.s32 $0x45, s4;
	v8 =	vld [tilespmem:s17+$0xFFFFFF10]  }
0x170: {  	v6 =	vmov s19;
	v9 =	vld [tilespmem:s17+$0xFFFFFF20]  }
0x171: {  	v6 =	vand.u32 $0xFFFFFFFD, v6;
	v4 =	vld.idx.msk [tilespmem:v4+s23+$0x0], $0xffff  }
0x172: {  	v6 =	vbroadcast v6, $0x0;
	v3 =	vld.idx.msk [tilespmem:v3+s23+$0x0], $0xffff  }
0x173: {  	v10 =	vld [tilespmem:s17+$0xFFFFFF30]  }
0x174: {  	v11 =	vld [tilespmem:s17+$0xFFFFFF40]  }
0x175: {  	v12 =	vld [tilespmem:s17+$0xFFFFFF50]  }
0x176: {  	v13 =	vld [tilespmem:s17+$0xFFFFFF60];
	v7 =	vmul.f32 v7, v4  }
0x177: {  	v61 =	vld [tilespmem:s17+$0xFFFFFFB0];
	v5 =	vmul.f32 v5, v3  }
0x178: {  	v6 =	vld.idx.msk [tilespmem:v6+s23+$0x0], $0xffff;
	[tilespmem:s17+$0xFFFFFF00] =	vst v7;
	v7 =	vmul.f32 v8, v4  }
0x179: {  	v8 =	vld [tilespmem:s17+$0xFFFFFF70];
	[tilespmem:s17+$0x70] =	vst v5;
	v5 =	vmul.f32 v9, v4  }
0x17a: {  	s4 =	sadd.s32 $0x47, s4;
	v9 =	vld [tilespmem:s17+$0xFFFFFF80];
	[tilespmem:s17+$0xFFFFFF10] =	vst v7;
	v7 =	vmul.f32 v10, v4  }
0x17b: {  	v14 =	vmov s4;
	v10 =	vld [tilespmem:s17+$0xFFFFFF90];
	[tilespmem:s17+$0xFFFFFF20] =	vst v5;
	v5 =	vmul.f32 v11, v4  }
0x17c: {  	v11 =	vld [tilespmem:s17+$0xFFFFFFA0];
	[tilespmem:s17+$0xFFFFFF30] =	vst v7;
	v7 =	vmul.f32 v12, v4  }
0x17d: {  	v62 =	vld [tilespmem:s17+$0xFFFFFFC0];
	[tilespmem:s17+$0xFFFFFF40] =	vst v5;
	v5 =	vmul.f32 v13, v4  }
0x17e: {  	v15 =	vld [tilespmem:s17+$0xFFFFFFD0];
	v8 =	vmul.f32 v8, v4;
	[tilespmem:s17+$0xFFFFFF50] =	vst v7  }
0x17f: {  	v16 =	vld [tilespmem:s17+$0xFFFFFFE0];
	v7 =	vmul.f32 v9, v6;
	[tilespmem:s17+$0xFFFFFF60] =	vst v5  }
0x180: {  	v4 =	vld.idx.msk [tilespmem:v14+s23+$0x0], $0xffff;
	v5 =	vmul.f32 v10, v6;
	[tilespmem:s17+$0xFFFFFF70] =	vst v8  }
0x181: {  	v10 =	vld [tilespmem:s17+$0xFFFFFFF0];
	[tilespmem:s17+$0xFFFFFF80] =	vst v7;
	v7 =	vmul.f32 v11, v6  }
0x182: {  	v9 =	vld [tilespmem:s17+$0x0];
	v11 =	vmul.f32 v62, v6;
	[tilespmem:s17+$0xFFFFFF90] =	vst v5  }
0x183: {  	v8 =	vld [tilespmem:s17+$0x10];
	v5 =	vmul.f32 v61, v6;
	[tilespmem:s17+$0xFFFFFFA0] =	vst v7  }
0x184: {  	v63 =	vmul.f32 v15, v6;
	v7 =	vld [tilespmem:s17+$0x20];
	[tilespmem:s17+$0xFFFFFFC0] =	vst v11  }
0x185: {  	v11 =	vmul.f32 v16, v6;
	[tilespmem:s17+$0xFFFFFFB0] =	vst v5;
	v5 =	vld [tilespmem:s17+$0x30]  }
0x186: {  	s4 =	sshll.u32 s16, $0x6;
	s9 =	simm.s32 $0x0;
	s8 =	simm.s32 $0x2D00;
	[tilespmem:s17+$0xFFFFFFD0] =	vst v63;
	v10 =	vmul.f32 v10, v6;
	v6 =	vld [tilespmem:s17+$0x40]  }
.LBB2_12:
0x187: {  	s13 =	sadd.s32 s9, s14;
	s9 =	sadd.s32 $0x4, s9;
	[tilespmem:s17+$0xFFFFFFE0] =	vst v11;
	v9 =	vmul.f32 v9, v3;
	v11 =	vld [tilespmem:s17+$0x50]  }
0x188: {  	s16 =	sadd.s32 $0x44, s13;
	s18 =	sadd.s32 $0x46, s13;
	p1 =	slt.u32 s9, $0x3C;
	[tilespmem:s17+$0xFFFFFFF0] =	vst v10;
	v8 =	vmul.f32 v8, v3;
	v10 =	vld [tilespmem:s17+$0x60]  }
0x189: {  	v12 =	vmov s16;
	s16 =	sadd.s32 $0x45, s13;
	v13 =	vmov s18;
	s13 =	sadd.s32 $0x47, s13;
	[tilespmem:s17+$0x0] =	vst v9;
	v7 =	vmul.f32 v7, v3;
	v9 =	vld [tilespmem:s17+$0x80]  }
0x18a: {  	v12 =	vand.u32 $0xFFFFFFFC, v12;
	v14 =	vmov s16;
	v13 =	vand.u32 $0xFFFFFFFE, v13;
	[tilespmem:s17+$0x10] =	vst v8;
	v8 =	vld [tilespmem:s17+$0x90]  }
0x18b: {  	v12 =	vbroadcast v12, $0x0;
	v14 =	vand.u32 $0xFFFFFFFD, v14;
	v13 =	vbroadcast v13, $0x0;
	[tilespmem:s17+$0x20] =	vst v7;
	v7 =	vld [tilespmem:s17+$0xA0]  }
0x18c: {  	v15 =	vmov s13;
	v5 =	vmul.f32 v5, v3;
	v14 =	vbroadcast v14, $0x0;
	v16 =	vld [tilespmem:s17+$0xB0]  }
0x18d: {  	v6 =	vmul.f32 v6, v3;
	v11 =	vmul.f32 v11, v3;
	v17 =	vld [tilespmem:s17+$0xC0]  }
0x18e: {  	[tilespmem:s17+$0x30] =	vst v5;
	v5 =	vmul.f32 v10, v3;
	v9 =	vmul.f32 v9, v4;
	v10 =	vld [tilespmem:s17+$0xD0]  }
0x18f: {  	[tilespmem:s17+$0x40] =	vst v6;
	v6 =	vmul.f32 v8, v4;
	v8 =	vld [tilespmem:s17+$0xE0]  }
0x190: {  	[tilespmem:s17+$0x50] =	vst v11;
	v7 =	vmul.f32 v7, v4;
	v11 =	vld [tilespmem:s17+$0xF0]  }
0x191: {  	s17 =	sadd.s32 $0x200, s17;
	v3 =	vld.idx.msk [tilespmem:v13+s23+$0x0], $0xffff;
	[tilespmem:s8+$0x60] =	vst v5;
	v5 =	vmul.f32 v16, v4  }
0x192: {  	v13 =	vld [tilespmem:s17+$0x70];
	[tilespmem:s8+$0x80] =	vst v9;
	v9 =	vmul.f32 v17, v4  }
0x193: {  	v12 =	vld.idx.msk [tilespmem:v12+s23+$0x0], $0xffff;
	[tilespmem:s8+$0x90] =	vst v6;
	v6 =	vmul.f32 v10, v4  }
0x194: {  	v10 =	vld.idx.msk [tilespmem:v14+s23+$0x0], $0xffff;
	[tilespmem:s8+$0xA0] =	vst v7;
	v7 =	vmul.f32 v8, v4  }
0x195: {  	[tilespmem:s8+$0xB0] =	vst v5;
	v5 =	vmul.f32 v11, v4;
	v4 =	vld.idx.msk [tilespmem:v15+s23+$0x0], $0xffff  }
0x196: {  	v8 =	vld [tilespmem:s17+$0xFFFFFF00];
	[tilespmem:s8+$0xC0] =	vst v9  }
0x197: {  	v9 =	vld [tilespmem:s17+$0xFFFFFF10];
	v11 =	vmul.f32 v13, v3;
	[tilespmem:s8+$0xD0] =	vst v6  }
0x198: {  	v6 =	vld [tilespmem:s17+$0xFFFFFF20];
	[tilespmem:s8+$0xE0] =	vst v7  }
0x199: {  	v7 =	vld [tilespmem:s17+$0xFFFFFF30];
	[tilespmem:s17+$0x70] =	vst v11  }
0x19a: {  	v11 =	vld [tilespmem:s17+$0xFFFFFF40];
	[tilespmem:s8+$0xF0] =	vst v5;
	s8 =	smov.u32 s17  }
0x19b: {  	v5 =	vmul.f32 v8, v12;
	v8 =	vld [tilespmem:s17+$0xFFFFFF50]  }
0x19c: {  	v9 =	vmul.f32 v9, v12;
	v13 =	vld [tilespmem:s17+$0xFFFFFF60]  }
0x19d: {  	[tilespmem:s17+$0xFFFFFF00] =	vst v5;
	v5 =	vmul.f32 v6, v12;
	v6 =	vld [tilespmem:s17+$0xFFFFFF70]  }
0x19e: {  	[tilespmem:s17+$0xFFFFFF10] =	vst v9;
	v7 =	vmul.f32 v7, v12;
	v9 =	vld [tilespmem:s17+$0xFFFFFF80]  }
0x19f: {  	[tilespmem:s17+$0xFFFFFF20] =	vst v5;
	v5 =	vmul.f32 v11, v12;
	v11 =	vld [tilespmem:s17+$0xFFFFFF90]  }
0x1a0: {  	[tilespmem:s17+$0xFFFFFF30] =	vst v7;
	v7 =	vmul.f32 v8, v12;
	v8 =	vld [tilespmem:s17+$0xFFFFFFA0]  }
0x1a1: {  	[tilespmem:s17+$0xFFFFFF40] =	vst v5;
	v5 =	vmul.f32 v13, v12;
	v13 =	vld [tilespmem:s17+$0xFFFFFFB0]  }
0x1a2: {  	[tilespmem:s17+$0xFFFFFF50] =	vst v7;
	v6 =	vmul.f32 v6, v12;
	v7 =	vld [tilespmem:s17+$0xFFFFFFC0]  }
0x1a3: {  	[tilespmem:s17+$0xFFFFFF60] =	vst v5;
	v5 =	vmul.f32 v9, v10;
	v12 =	vld [tilespmem:s17+$0xFFFFFFD0]  }
0x1a4: {  	[tilespmem:s17+$0xFFFFFF70] =	vst v6;
	v6 =	vmul.f32 v11, v10;
	v11 =	vld [tilespmem:s17+$0xFFFFFFE0]  }
0x1a5: {  	[tilespmem:s17+$0xFFFFFF80] =	vst v5;
	v5 =	vmul.f32 v8, v10;
	v14 =	vld [tilespmem:s17+$0xFFFFFFF0]  }
.Ltmp12:
0x1a6: {  	[tilespmem:s17+$0xFFFFFF90] =	vst v6;
	v6 =	vmul.f32 v13, v10;
	v9 =	vld [tilespmem:s17+$0x0];
	(pc) =	sbr.rel @p1 .LBB2_12-.Ltmp12, $4  }
0x1a7: {  	[tilespmem:s17+$0xFFFFFFA0] =	vst v5;
	v5 =	vmul.f32 v7, v10;
	v8 =	vld [tilespmem:s17+$0x10]  }
0x1a8: {  	[tilespmem:s17+$0xFFFFFFB0] =	vst v6;
	v6 =	vmul.f32 v12, v10;
	v7 =	vld [tilespmem:s17+$0x20]  }
0x1a9: {  	[tilespmem:s17+$0xFFFFFFC0] =	vst v5;
	v11 =	vmul.f32 v11, v10;
	v5 =	vld [tilespmem:s17+$0x30]  }
0x1aa: {  	[tilespmem:s17+$0xFFFFFFD0] =	vst v6;
	v10 =	vmul.f32 v14, v10;
	v6 =	vld [tilespmem:s17+$0x40]  }
0x1ab: {  	v12 =	vld [tilespmem:s17+$0x50]  }
0x1ac: {  	[tilespmem:s17+$0xFFFFFFE0] =	vst v11;
	v9 =	vmul.f32 v9, v3;
	v51 =	vld [tilespmem:s17+$0x60]  }
0x1ad: {  	v52 =	vld [tilespmem:s17+$0x80];
	[tilespmem:s17+$0xFFFFFFF0] =	vst v10;
	v8 =	vmul.f32 v8, v3  }
0x1ae: {  	v53 =	vld [tilespmem:s17+$0x90];
	[tilespmem:s17+$0x0] =	vst v9;
	v7 =	vmul.f32 v7, v3  }
0x1af: {  	v55 =	vld [tilespmem:s17+$0xB0];
	[tilespmem:s17+$0x10] =	vst v8;
	v5 =	vmul.f32 v5, v3  }
0x1b0: {  	v13 =	vld [tilespmem:s17+$0xC0];
	[tilespmem:s17+$0x20] =	vst v7;
	v6 =	vmul.f32 v6, v3  }
0x1b1: {  	v54 =	vld [tilespmem:s17+$0xA0];
	v12 =	vmul.f32 v12, v3;
	[tilespmem:s17+$0x30] =	vst v5  }
0x1b2: {  	v58 =	vld [tilespmem:s17+$0xE0];
	v57 =	vmul.f32 v52, v4;
	[tilespmem:s17+$0x40] =	vst v6  }
0x1b3: {  	v56 =	vld [tilespmem:s17+$0xD0];
	v9 =	vmul.f32 v53, v4;
	[tilespmem:s17+$0x50] =	vst v12  }
0x1b4: {  	v59 =	vld [tilespmem:s17+$0xF0];
	v60 =	vmul.f32 v55, v4;
	[tilespmem:s8+$0x80] =	vst v57  }
0x1b5: {  	v61 =	vmul.f32 v13, v4;
	[tilespmem:s8+$0x90] =	vst v9  }
0x1b6: {  	v3 =	vmul.f32 v51, v3;
	[tilespmem:s8+$0xB0] =	vst v60  }
0x1b7: {  	v62 =	vmul.f32 v58, v4;
	[tilespmem:s8+$0xC0] =	vst v61  }
0x1b8: {  	[tilespmem:s8+$0x60] =	vst v3;
	v3 =	vmul.f32 v54, v4  }
0x1b9: {  	v63 =	vmul.f32 v59, v4;
	[tilespmem:s8+$0xE0] =	vst v62  }
0x1ba: {  	[tilespmem:s8+$0xA0] =	vst v3;
	v3 =	vmul.f32 v56, v4  }
0x1bb: {  	[tilespmem:s8+$0xF0] =	vst v63  }
0x1bc: {  	[tilespmem:s8+$0xD0] =	vst v3  }
0x1bd: {  	v3 =	vld [tilespmem:s4+$0x5080];
	_ =	sdelay $0x4  }
0x1be: {  	s17 =	sor.u32 $0x50, s4;
	[tilespmem:$0x5980] =	vst v3  }
0x1bf: {  	v3 =	vld [tilespmem:s17+$0x5080];
	_ =	sdelay $0x4  }
0x1c0: {  	s18 =	sor.u32 $0x60, s4;
	[tilespmem:$0x5990] =	vst v3  }
0x1c1: {  	v3 =	vld [tilespmem:s18+$0x5080];
	_ =	sdelay $0x4  }
0x1c2: {  	s19 =	sor.u32 $0x70, s4;
	[tilespmem:$0x59A0] =	vst v3  }
0x1c3: {  	v3 =	vld [tilespmem:s19+$0x5080];
	_ =	sdelay $0x4  }
.Ltmp13:
0x1c4: {  	[tilespmem:$0x59B0] =	vst v3;
	(pc) =	sbr.rel .LBB2_14-.Ltmp13, $4  }
0x1c5: {  	[spmem:s3] =	stream.indirect.scatter.add.f32 [tilespmem:s30], [sflag:$0x3], $0x80, s25, s24, $0xb8;
	[tilespmem:$0x1FE80] =	vst v63  }
0x1c6: {  	_ =	swait.ge [sflag:s20], $0x2000  }
0x1c7: {  	[sflag:s20] =	ssyncset.done $0x0  }
0x1c8: {  	[sflag:s20] =	ssyncadd.s32 $0xFFFFE000  }
.LBB2_18:
0x1c9: {  	_ =	sfence.sel $0x180000  }
0x1ca: {  	[bflag:$0x0] =	sbarrier.arrive $0xFFFF  }
0x1cb: {  	_ =	strace $0x90000047  }
0x1cc: {  	s0 =	stileid.u32;
	[bflag:$0x2] =	sbarrier.arrive $0xFFFF  }
0x1cd: {  	p0 =	sne.s32 s0, $0x0;
	s0 =	rddreg [dreg:$0x5]  }
0x1ce: {  	s0 =	sadd.s32 @!p0 $0x100000, s0  }
0x1cf: {  	[sflag:s0] =	ssyncadd.tile.s32 @!p0 $0x1;
	_ =	shalt  }
.Lfunc_end2:
_tile_overlayer_lowered:
.L_overlay_start_2:
0x1d0: {  	(tag) =	ssettag $0x2  }
0x1d1: {  	s0 =	rddreg [dreg:$0x0];
	s2 =	stileid.u32  }
0x1d2: {  	s1 =	rddreg [dreg:$0x1];
	p0 =	sne.s32 s2, $0x0  }
0x1d3: {  	s3 =	rddreg [dreg:$0x2];
	[bflag:$0x3] =	sbarrier.arrive $0xFFFF;
	s2 =	simm.s32 @!p0 $0x1C03  }
0x1d4: {  	[timem:s3], [sflag:s2] =	dma.local @!p0 [hbm:s0], s1  }
0x1d5: {  	s0 =	simm.s32 @!p0 $0x3  }
0x1d6: {  	_ =	swait.ge @!p0 [sflag:s0], s1  }
0x1d7: {  	s1 =	ssub.s32 @!p0 $0x0, s1;
	[sflag:s0] =	ssyncset.done @!p0 $0x0  }
0x1d8: {  	[sflag:s0] =	ssyncadd.s32 @!p0 s1  }
0x1d9: {  	[bflag:$0x3] =	sbarrier.arrive $0xFFFF  }
0x1da: {  	_ =	shalt  }

</sc_bundles>
